<compile_context>
chip_gen: v7x
topology: tpu7x:2x2x1
jax: 0.10.2.dev20260603
libtpu: 0.0.44.dev20260713+nightly
codegen_flags: <defaults>
</compile_context>

<pallas_src>
import functools

import jax
import jax.numpy as jnp
from jax import lax
from jax.experimental import pallas as pl
from jax.experimental.pallas import tpu as pltpu
from jax.experimental.pallas import tpu_sc as plsc

_NUM_NODES = 1000000
_DIM = 64
_BATCH = 16384

_NC = 2
_NS = 16
_NW = _NC * _NS
_BPW = _BATCH // _NW
_CHUNK = 128
_NCH = _BPW // _CHUNK
_PADDED = 2 * _DIM

_mesh = plsc.VectorSubcoreMesh(core_axis_name="c", subcore_axis_name="s")


@functools.partial(
    pl.kernel,
    mesh=_mesh,
    out_type=jax.ShapeDtypeStruct((_BATCH, _PADDED), jnp.float32),
    scratch_types=[
        pltpu.VMEM((_NCH, _CHUNK), jnp.int32),
        pltpu.VMEM((_NCH, _CHUNK, _PADDED), jnp.float32),
        pltpu.SemaphoreType.DMA,
    ],
)
def _mem_gather(n_id_hbm, memp_hbm, mem_out, idx_v, row_v, sem_m):
    wid = lax.axis_index("s") * _NC + lax.axis_index("c")
    base = wid * _BPW
    pltpu.sync_copy(n_id_hbm.at[pl.ds(wid * _NCH, _NCH)], idx_v)
    row_copies = [
        pltpu.async_copy(memp_hbm.at[idx_v.at[j]], row_v.at[j], sem_m)
        for j in range(_NCH)
    ]
    for j in range(_NCH):
        row_copies[j].wait()
        pltpu.sync_copy(
            row_v.at[j], mem_out.at[pl.ds(base + j * _CHUNK, _CHUNK)])


@functools.partial(
    pl.kernel,
    mesh=_mesh,
    out_type=jax.ShapeDtypeStruct((_BATCH,), jnp.float32),
    scratch_types=[
        pltpu.VMEM((_NCH, _CHUNK), jnp.int32),
        pltpu.VMEM((_NCH, _CHUNK), jnp.float32),
        pltpu.SemaphoreType.DMA,
    ],
)
def _lu_gather(n_id_hbm, lu_hbm, lu_out, idx_v, lu_v, sem_l):
    wid = lax.axis_index("s") * _NC + lax.axis_index("c")
    base = wid * _BPW
    pltpu.sync_copy(n_id_hbm.at[pl.ds(wid * _NCH, _NCH)], idx_v)
    lu_copies = [
        pltpu.async_copy(lu_hbm.at[idx_v.at[j]], lu_v.at[j], sem_l)
        for j in range(_NCH)
    ]
    for j in range(_NCH):
        lu_copies[j].wait()
        pltpu.sync_copy(lu_v.at[j], lu_out.at[pl.ds(base + j * _CHUNK, _CHUNK)])


def kernel(n_id, memory, last_update):
    n_id2 = n_id.astype(jnp.int32).reshape(_NW * _NCH, _CHUNK)
    lu_out = _lu_gather(n_id2, last_update)
    proj = jnp.concatenate(
        [jnp.eye(_DIM, dtype=jnp.float32),
         jnp.zeros((_DIM, _DIM), jnp.float32)], axis=1)
    memp = jax.lax.dot(memory, proj)
    mem_out = _mem_gather(n_id2, memp)
    return (mem_out[:, :_DIM], lu_out)

# --- scband reference (transcript-rebuilt; emitter-appended) ---
"""Pipeline reference for scband-custom-tgnmemory-87763361726821 (READ-ONLY COPY).

The authoritative reference and input builder live on the scoring server;
editing this copy changes nothing except your own understanding.
"""

import jax, jax.numpy as jnp
import numpy as np

NUM_NODES = 1000000
MEMORY_DIM = 64
BATCH = 16384


def setup_inputs(seed: int = 0) -> dict:
    key = jax.random.key(seed)
    k1, k2, k3 = jax.random.split(key, 3)
    n_id = jax.random.randint(k1, (BATCH,), 0, NUM_NODES, dtype=jnp.int64 if jax.config.jax_enable_x64 else jnp.int32)
    # Learned/state buffers sized per init_kwargs (registered buffers `memory` and `last_update`).
    # Torch initializes them to zeros; we use random values so the gather is non-degenerate.
    memory = jax.random.normal(k2, (NUM_NODES, MEMORY_DIM), dtype=jnp.float32)
    last_update = jax.random.uniform(k3, (NUM_NODES,), dtype=jnp.float32)
    return {"n_id": n_id, "memory": memory, "last_update": last_update}


def reference(n_id, memory, last_update):
    # CustomTGNMemory.forward(n_id): fetch memory rows and last-update times
    # for the requested node ids (pure gather on the state buffers).
    mem_out = jnp.take(memory, n_id, axis=0)
    lu_out = jnp.take(last_update, n_id, axis=0)
    return (mem_out, lu_out)

if __name__ == "__main__":
    import jax
    _d = setup_inputs()
    print(jax.jit(kernel)(*tuple(_d.values())))

</pallas_src>

<mosaic_0001>
#map = affine_map<(d0, d1) -> (0, 0)>
module attributes {stable_mosaic.version = 14 : i64} {
  func.func @_mem_gather(%arg0: i32, %arg1: i32, %arg2: memref<128x128xi32, #tpu.memory_space<hbm>>, %arg3: memref<1000000x128xf32, #tpu.memory_space<hbm>>, %arg4: memref<16384x128xf32, #tpu.memory_space<hbm>>, %arg5: memref<4x128xi32, #tpu.memory_space<vmem>>, %arg6: memref<4x128x128xf32, #tpu.memory_space<vmem>>, %arg7: memref<!tpu.dma_semaphore, #tpu.memory_space<semaphore_mem>>) attributes {dimension_semantics = [#tpu.dimension_semantics<core_parallel>, #tpu.dimension_semantics<subcore_parallel>], iteration_bounds = array<i64: 2, 16>, scalar_prefetch = 0 : i64, scratch_operands = 3 : i64, tpu.core_type = #tpu.core_type<sc_vector_subcore>, window_params = [{transform_indices = #map}, {transform_indices = #map}, {transform_indices = #map}]} {
    %mul3A = arith.constant 2 : i32
    %mul3A_0 = arith.muli %arg1, %mul3A : i32
    %add3A = arith.addi %mul3A_0, %arg0 : i32
    %mul3A_1 = arith.constant 512 : i32
    %mul3A_2 = arith.muli %add3A, %mul3A_1 : i32
    %mul3A_3 = arith.constant 4 : i32
    %mul3A_4 = arith.muli %add3A, %mul3A_3 : i32
    "tpu.region"() ({
      %run_scoped3A_110 = tpu.sem_alloc : memref<!tpu.dma_semaphore, #tpu.memory_space<semaphore_mem>>
      %dma_start3A_111 = arith.constant 0 : i32
      %dma_start3A_112 = tpu.memref_slice %arg2[%mul3A_4, %dma_start3A_111] : memref<128x128xi32, #tpu.memory_space<hbm>> -> memref<4x128xi32, #tpu.memory_space<hbm>>
      %dma_start3A_113 = arith.constant 0 : i32
      %dma_start3A_114 = tpu.memref_slice %arg2[%mul3A_4, %dma_start3A_113] : memref<128x128xi32, #tpu.memory_space<hbm>> -> memref<4x128xi32, #tpu.memory_space<hbm>>
      tpu.enqueue_dma source(%dma_start3A_114 : memref<4x128xi32, #tpu.memory_space<hbm>>) target(%arg5 : memref<4x128xi32, #tpu.memory_space<vmem>>) target_semaphore(%run_scoped3A_110 : memref<!tpu.dma_semaphore, #tpu.memory_space<semaphore_mem>>)
      %dma_wait3A_115 = arith.constant 0 : i32
      %dma_wait3A_116 = tpu.memref_slice %arg2[%mul3A_4, %dma_wait3A_115] : memref<128x128xi32, #tpu.memory_space<hbm>> -> memref<4x128xi32, #tpu.memory_space<hbm>>
      %dma_wait3A_117 = arith.constant 0 : i32
      %dma_wait3A_118 = tpu.memref_slice %arg2[%mul3A_4, %dma_wait3A_117] : memref<128x128xi32, #tpu.memory_space<hbm>> -> memref<4x128xi32, #tpu.memory_space<hbm>>
      tpu.wait_dma2 semaphore(%run_scoped3A_110 : memref<!tpu.dma_semaphore, #tpu.memory_space<semaphore_mem>>) src(%dma_wait3A_118 : memref<4x128xi32, #tpu.memory_space<hbm>>) dst(%arg5 : memref<4x128xi32, #tpu.memory_space<vmem>>)
      tpu.yield
    }) : () -> ()
    %dma_start3A = arith.constant 0 : i32
    %dma_start3A_5 = arith.constant 0 : i32
    %dma_start3A_6 = arith.constant 0 : i32
    %dma_start3A_7 = arith.constant 0 : i32
    %dma_start3A_8 = tpu.memref_slice %arg6[%dma_start3A_5, %dma_start3A_6, %dma_start3A_7] : memref<4x128x128xf32, #tpu.memory_space<vmem>> -> memref<1x128x128xf32, #tpu.memory_space<vmem>>
    %dma_start3A_9 = tpu.memref_squeeze %dma_start3A_8 : memref<1x128x128xf32, #tpu.memory_space<vmem>> -> memref<128x128xf32, #tpu.memory_space<vmem>>
    %dma_start3A_10 = arith.constant 0 : i32
    %dma_start3A_11 = tpu.memref_slice %arg5[%dma_start3A, %dma_start3A_10] : memref<4x128xi32, #tpu.memory_space<vmem>> -> memref<1x128xi32, #tpu.memory_space<vmem>>
    %dma_start3A_12 = tpu.memref_squeeze %dma_start3A_11 : memref<1x128xi32, #tpu.memory_space<vmem>> -> memref<128xi32, #tpu.memory_space<vmem>>
    %dma_start3A_13 = arith.constant 0 : i32
    %dma_start3A_14 = arith.constant 0 : i32
    %dma_start3A_15 = tpu.memref_slice %arg3[%dma_start3A_13, %dma_start3A_14] : memref<1000000x128xf32, #tpu.memory_space<hbm>> -> memref<1000000x128xf32, #tpu.memory_space<hbm>>
    tpu.enqueue_indirect_dma source(%dma_start3A_15 : memref<1000000x128xf32, #tpu.memory_space<hbm>>) target(%dma_start3A_9 : memref<128x128xf32, #tpu.memory_space<vmem>>) offsets(%dma_start3A_12 : memref<128xi32, #tpu.memory_space<vmem>>) semaphore(%arg7 : memref<!tpu.dma_semaphore, #tpu.memory_space<semaphore_mem>>)
    %dma_start3A_16 = arith.constant 1 : i32
    %dma_start3A_17 = arith.constant 1 : i32
    %dma_start3A_18 = arith.constant 0 : i32
    %dma_start3A_19 = arith.constant 0 : i32
    %dma_start3A_20 = tpu.memref_slice %arg6[%dma_start3A_17, %dma_start3A_18, %dma_start3A_19] : memref<4x128x128xf32, #tpu.memory_space<vmem>> -> memref<1x128x128xf32, #tpu.memory_space<vmem>>
    %dma_start3A_21 = tpu.memref_squeeze %dma_start3A_20 : memref<1x128x128xf32, #tpu.memory_space<vmem>> -> memref<128x128xf32, #tpu.memory_space<vmem>>
    %dma_start3A_22 = arith.constant 0 : i32
    %dma_start3A_23 = tpu.memref_slice %arg5[%dma_start3A_16, %dma_start3A_22] : memref<4x128xi32, #tpu.memory_space<vmem>> -> memref<1x128xi32, #tpu.memory_space<vmem>>
    %dma_start3A_24 = tpu.memref_squeeze %dma_start3A_23 : memref<1x128xi32, #tpu.memory_space<vmem>> -> memref<128xi32, #tpu.memory_space<vmem>>
    %dma_start3A_25 = arith.constant 0 : i32
    %dma_start3A_26 = arith.constant 0 : i32
    %dma_start3A_27 = tpu.memref_slice %arg3[%dma_start3A_25, %dma_start3A_26] : memref<1000000x128xf32, #tpu.memory_space<hbm>> -> memref<1000000x128xf32, #tpu.memory_space<hbm>>
    tpu.enqueue_indirect_dma source(%dma_start3A_27 : memref<1000000x128xf32, #tpu.memory_space<hbm>>) target(%dma_start3A_21 : memref<128x128xf32, #tpu.memory_space<vmem>>) offsets(%dma_start3A_24 : memref<128xi32, #tpu.memory_space<vmem>>) semaphore(%arg7 : memref<!tpu.dma_semaphore, #tpu.memory_space<semaphore_mem>>)
    %dma_start3A_28 = arith.constant 2 : i32
    %dma_start3A_29 = arith.constant 2 : i32
    %dma_start3A_30 = arith.constant 0 : i32
    %dma_start3A_31 = arith.constant 0 : i32
    %dma_start3A_32 = tpu.memref_slice %arg6[%dma_start3A_29, %dma_start3A_30, %dma_start3A_31] : memref<4x128x128xf32, #tpu.memory_space<vmem>> -> memref<1x128x128xf32, #tpu.memory_space<vmem>>
    %dma_start3A_33 = tpu.memref_squeeze %dma_start3A_32 : memref<1x128x128xf32, #tpu.memory_space<vmem>> -> memref<128x128xf32, #tpu.memory_space<vmem>>
    %dma_start3A_34 = arith.constant 0 : i32
    %dma_start3A_35 = tpu.memref_slice %arg5[%dma_start3A_28, %dma_start3A_34] : memref<4x128xi32, #tpu.memory_space<vmem>> -> memref<1x128xi32, #tpu.memory_space<vmem>>
    %dma_start3A_36 = tpu.memref_squeeze %dma_start3A_35 : memref<1x128xi32, #tpu.memory_space<vmem>> -> memref<128xi32, #tpu.memory_space<vmem>>
    %dma_start3A_37 = arith.constant 0 : i32
    %dma_start3A_38 = arith.constant 0 : i32
    %dma_start3A_39 = tpu.memref_slice %arg3[%dma_start3A_37, %dma_start3A_38] : memref<1000000x128xf32, #tpu.memory_space<hbm>> -> memref<1000000x128xf32, #tpu.memory_space<hbm>>
    tpu.enqueue_indirect_dma source(%dma_start3A_39 : memref<1000000x128xf32, #tpu.memory_space<hbm>>) target(%dma_start3A_33 : memref<128x128xf32, #tpu.memory_space<vmem>>) offsets(%dma_start3A_36 : memref<128xi32, #tpu.memory_space<vmem>>) semaphore(%arg7 : memref<!tpu.dma_semaphore, #tpu.memory_space<semaphore_mem>>)
    %dma_start3A_40 = arith.constant 3 : i32
    %dma_start3A_41 = arith.constant 3 : i32
    %dma_start3A_42 = arith.constant 0 : i32
    %dma_start3A_43 = arith.constant 0 : i32
    %dma_start3A_44 = tpu.memref_slice %arg6[%dma_start3A_41, %dma_start3A_42, %dma_start3A_43] : memref<4x128x128xf32, #tpu.memory_space<vmem>> -> memref<1x128x128xf32, #tpu.memory_space<vmem>>
    %dma_start3A_45 = tpu.memref_squeeze %dma_start3A_44 : memref<1x128x128xf32, #tpu.memory_space<vmem>> -> memref<128x128xf32, #tpu.memory_space<vmem>>
    %dma_start3A_46 = arith.constant 0 : i32
    %dma_start3A_47 = tpu.memref_slice %arg5[%dma_start3A_40, %dma_start3A_46] : memref<4x128xi32, #tpu.memory_space<vmem>> -> memref<1x128xi32, #tpu.memory_space<vmem>>
    %dma_start3A_48 = tpu.memref_squeeze %dma_start3A_47 : memref<1x128xi32, #tpu.memory_space<vmem>> -> memref<128xi32, #tpu.memory_space<vmem>>
    %dma_start3A_49 = arith.constant 0 : i32
    %dma_start3A_50 = arith.constant 0 : i32
    %dma_start3A_51 = tpu.memref_slice %arg3[%dma_start3A_49, %dma_start3A_50] : memref<1000000x128xf32, #tpu.memory_space<hbm>> -> memref<1000000x128xf32, #tpu.memory_space<hbm>>
    tpu.enqueue_indirect_dma source(%dma_start3A_51 : memref<1000000x128xf32, #tpu.memory_space<hbm>>) target(%dma_start3A_45 : memref<128x128xf32, #tpu.memory_space<vmem>>) offsets(%dma_start3A_48 : memref<128xi32, #tpu.memory_space<vmem>>) semaphore(%arg7 : memref<!tpu.dma_semaphore, #tpu.memory_space<semaphore_mem>>)
    %dma_wait3A = arith.constant 0 : i32
    %dma_wait3A_52 = arith.constant 0 : i32
    %dma_wait3A_53 = arith.constant 0 : i32
    %dma_wait3A_54 = arith.constant 0 : i32
    %dma_wait3A_55 = tpu.memref_slice %arg6[%dma_wait3A_52, %dma_wait3A_53, %dma_wait3A_54] : memref<4x128x128xf32, #tpu.memory_space<vmem>> -> memref<1x128x128xf32, #tpu.memory_space<vmem>>
    %dma_wait3A_56 = tpu.memref_squeeze %dma_wait3A_55 : memref<1x128x128xf32, #tpu.memory_space<vmem>> -> memref<128x128xf32, #tpu.memory_space<vmem>>
    %dma_wait3A_57 = arith.constant 0 : i32
    %dma_wait3A_58 = tpu.memref_slice %arg5[%dma_wait3A, %dma_wait3A_57] : memref<4x128xi32, #tpu.memory_space<vmem>> -> memref<1x128xi32, #tpu.memory_space<vmem>>
    %dma_wait3A_59 = tpu.memref_squeeze %dma_wait3A_58 : memref<1x128xi32, #tpu.memory_space<vmem>> -> memref<128xi32, #tpu.memory_space<vmem>>
    %dma_wait3A_60 = arith.constant 0 : i32
    %dma_wait3A_61 = arith.constant 0 : i32
    %dma_wait3A_62 = tpu.memref_slice %arg3[%dma_wait3A_60, %dma_wait3A_61] : memref<1000000x128xf32, #tpu.memory_space<hbm>> -> memref<1000000x128xf32, #tpu.memory_space<hbm>>
    tpu.wait_indirect_dma semaphore(%arg7 : memref<!tpu.dma_semaphore, #tpu.memory_space<semaphore_mem>>) src(%dma_wait3A_62 : memref<1000000x128xf32, #tpu.memory_space<hbm>>) dst(%dma_wait3A_56 : memref<128x128xf32, #tpu.memory_space<vmem>>)
    %add3A_63 = arith.constant 0 : i32
    %add3A_64 = arith.addi %mul3A_2, %add3A_63 : i32
    %run_scoped3A = arith.constant 0 : i32
    "tpu.region"() ({
      %run_scoped3A_110 = tpu.sem_alloc : memref<!tpu.dma_semaphore, #tpu.memory_space<semaphore_mem>>
      %dma_start3A_111 = arith.constant 0 : i32
      %dma_start3A_112 = arith.constant 0 : i32
      %dma_start3A_113 = tpu.memref_slice %arg6[%run_scoped3A, %dma_start3A_111, %dma_start3A_112] : memref<4x128x128xf32, #tpu.memory_space<vmem>> -> memref<1x128x128xf32, #tpu.memory_space<vmem>>
      %dma_start3A_114 = tpu.memref_squeeze %dma_start3A_113 : memref<1x128x128xf32, #tpu.memory_space<vmem>> -> memref<128x128xf32, #tpu.memory_space<vmem>>
      %dma_start3A_115 = arith.constant 0 : i32
      %dma_start3A_116 = tpu.memref_slice %arg4[%add3A_64, %dma_start3A_115] : memref<16384x128xf32, #tpu.memory_space<hbm>> -> memref<128x128xf32, #tpu.memory_space<hbm>>
      %dma_start3A_117 = arith.constant 0 : i32
      %dma_start3A_118 = tpu.memref_slice %arg4[%add3A_64, %dma_start3A_117] : memref<16384x128xf32, #tpu.memory_space<hbm>> -> memref<128x128xf32, #tpu.memory_space<hbm>>
      %dma_start3A_119 = arith.constant 0 : i32
      %dma_start3A_120 = arith.constant 0 : i32
      %dma_start3A_121 = tpu.memref_slice %arg6[%run_scoped3A, %dma_start3A_119, %dma_start3A_120] : memref<4x128x128xf32, #tpu.memory_space<vmem>> -> memref<1x128x128xf32, #tpu.memory_space<vmem>>
      %dma_start3A_122 = tpu.memref_squeeze %dma_start3A_121 : memref<1x128x128xf32, #tpu.memory_space<vmem>> -> memref<128x128xf32, #tpu.memory_space<vmem>>
      tpu.enqueue_dma source(%dma_start3A_122 : memref<128x128xf32, #tpu.memory_space<vmem>>) target(%dma_start3A_118 : memref<128x128xf32, #tpu.memory_space<hbm>>) target_semaphore(%run_scoped3A_110 : memref<!tpu.dma_semaphore, #tpu.memory_space<semaphore_mem>>)
      %dma_wait3A_123 = arith.constant 0 : i32
      %dma_wait3A_124 = arith.constant 0 : i32
      %dma_wait3A_125 = tpu.memref_slice %arg6[%run_scoped3A, %dma_wait3A_123, %dma_wait3A_124] : memref<4x128x128xf32, #tpu.memory_space<vmem>> -> memref<1x128x128xf32, #tpu.memory_space<vmem>>
      %dma_wait3A_126 = tpu.memref_squeeze %dma_wait3A_125 : memref<1x128x128xf32, #tpu.memory_space<vmem>> -> memref<128x128xf32, #tpu.memory_space<vmem>>
      %dma_wait3A_127 = arith.constant 0 : i32
      %dma_wait3A_128 = tpu.memref_slice %arg4[%add3A_64, %dma_wait3A_127] : memref<16384x128xf32, #tpu.memory_space<hbm>> -> memref<128x128xf32, #tpu.memory_space<hbm>>
      %dma_wait3A_129 = arith.constant 0 : i32
      %dma_wait3A_130 = tpu.memref_slice %arg4[%add3A_64, %dma_wait3A_129] : memref<16384x128xf32, #tpu.memory_space<hbm>> -> memref<128x128xf32, #tpu.memory_space<hbm>>
      %dma_wait3A_131 = arith.constant 0 : i32
      %dma_wait3A_132 = arith.constant 0 : i32
      %dma_wait3A_133 = tpu.memref_slice %arg6[%run_scoped3A, %dma_wait3A_131, %dma_wait3A_132] : memref<4x128x128xf32, #tpu.memory_space<vmem>> -> memref<1x128x128xf32, #tpu.memory_space<vmem>>
      %dma_wait3A_134 = tpu.memref_squeeze %dma_wait3A_133 : memref<1x128x128xf32, #tpu.memory_space<vmem>> -> memref<128x128xf32, #tpu.memory_space<vmem>>
      tpu.wait_dma2 semaphore(%run_scoped3A_110 : memref<!tpu.dma_semaphore, #tpu.memory_space<semaphore_mem>>) src(%dma_wait3A_134 : memref<128x128xf32, #tpu.memory_space<vmem>>) dst(%dma_wait3A_130 : memref<128x128xf32, #tpu.memory_space<hbm>>)
      tpu.yield
    }) : () -> ()
    %dma_wait3A_65 = arith.constant 1 : i32
    %dma_wait3A_66 = arith.constant 1 : i32
    %dma_wait3A_67 = arith.constant 0 : i32
    %dma_wait3A_68 = arith.constant 0 : i32
    %dma_wait3A_69 = tpu.memref_slice %arg6[%dma_wait3A_66, %dma_wait3A_67, %dma_wait3A_68] : memref<4x128x128xf32, #tpu.memory_space<vmem>> -> memref<1x128x128xf32, #tpu.memory_space<vmem>>
    %dma_wait3A_70 = tpu.memref_squeeze %dma_wait3A_69 : memref<1x128x128xf32, #tpu.memory_space<vmem>> -> memref<128x128xf32, #tpu.memory_space<vmem>>
    %dma_wait3A_71 = arith.constant 0 : i32
    %dma_wait3A_72 = tpu.memref_slice %arg5[%dma_wait3A_65, %dma_wait3A_71] : memref<4x128xi32, #tpu.memory_space<vmem>> -> memref<1x128xi32, #tpu.memory_space<vmem>>
    %dma_wait3A_73 = tpu.memref_squeeze %dma_wait3A_72 : memref<1x128xi32, #tpu.memory_space<vmem>> -> memref<128xi32, #tpu.memory_space<vmem>>
    %dma_wait3A_74 = arith.constant 0 : i32
    %dma_wait3A_75 = arith.constant 0 : i32
    %dma_wait3A_76 = tpu.memref_slice %arg3[%dma_wait3A_74, %dma_wait3A_75] : memref<1000000x128xf32, #tpu.memory_space<hbm>> -> memref<1000000x128xf32, #tpu.memory_space<hbm>>
    tpu.wait_indirect_dma semaphore(%arg7 : memref<!tpu.dma_semaphore, #tpu.memory_space<semaphore_mem>>) src(%dma_wait3A_76 : memref<1000000x128xf32, #tpu.memory_space<hbm>>) dst(%dma_wait3A_70 : memref<128x128xf32, #tpu.memory_space<vmem>>)
    %add3A_77 = arith.constant 128 : i32
    %add3A_78 = arith.addi %mul3A_2, %add3A_77 : i32
    %run_scoped3A_79 = arith.constant 1 : i32
    "tpu.region"() ({
      %run_scoped3A_110 = tpu.sem_alloc : memref<!tpu.dma_semaphore, #tpu.memory_space<semaphore_mem>>
      %dma_start3A_111 = arith.constant 0 : i32
      %dma_start3A_112 = arith.constant 0 : i32
      %dma_start3A_113 = tpu.memref_slice %arg6[%run_scoped3A_79, %dma_start3A_111, %dma_start3A_112] : memref<4x128x128xf32, #tpu.memory_space<vmem>> -> memref<1x128x128xf32, #tpu.memory_space<vmem>>
      %dma_start3A_114 = tpu.memref_squeeze %dma_start3A_113 : memref<1x128x128xf32, #tpu.memory_space<vmem>> -> memref<128x128xf32, #tpu.memory_space<vmem>>
      %dma_start3A_115 = arith.constant 0 : i32
      %dma_start3A_116 = tpu.memref_slice %arg4[%add3A_78, %dma_start3A_115] : memref<16384x128xf32, #tpu.memory_space<hbm>> -> memref<128x128xf32, #tpu.memory_space<hbm>>
      %dma_start3A_117 = arith.constant 0 : i32
      %dma_start3A_118 = tpu.memref_slice %arg4[%add3A_78, %dma_start3A_117] : memref<16384x128xf32, #tpu.memory_space<hbm>> -> memref<128x128xf32, #tpu.memory_space<hbm>>
      %dma_start3A_119 = arith.constant 0 : i32
      %dma_start3A_120 = arith.constant 0 : i32
      %dma_start3A_121 = tpu.memref_slice %arg6[%run_scoped3A_79, %dma_start3A_119, %dma_start3A_120] : memref<4x128x128xf32, #tpu.memory_space<vmem>> -> memref<1x128x128xf32, #tpu.memory_space<vmem>>
      %dma_start3A_122 = tpu.memref_squeeze %dma_start3A_121 : memref<1x128x128xf32, #tpu.memory_space<vmem>> -> memref<128x128xf32, #tpu.memory_space<vmem>>
      tpu.enqueue_dma source(%dma_start3A_122 : memref<128x128xf32, #tpu.memory_space<vmem>>) target(%dma_start3A_118 : memref<128x128xf32, #tpu.memory_space<hbm>>) target_semaphore(%run_scoped3A_110 : memref<!tpu.dma_semaphore, #tpu.memory_space<semaphore_mem>>)
      %dma_wait3A_123 = arith.constant 0 : i32
      %dma_wait3A_124 = arith.constant 0 : i32
      %dma_wait3A_125 = tpu.memref_slice %arg6[%run_scoped3A_79, %dma_wait3A_123, %dma_wait3A_124] : memref<4x128x128xf32, #tpu.memory_space<vmem>> -> memref<1x128x128xf32, #tpu.memory_space<vmem>>
      %dma_wait3A_126 = tpu.memref_squeeze %dma_wait3A_125 : memref<1x128x128xf32, #tpu.memory_space<vmem>> -> memref<128x128xf32, #tpu.memory_space<vmem>>
      %dma_wait3A_127 = arith.constant 0 : i32
      %dma_wait3A_128 = tpu.memref_slice %arg4[%add3A_78, %dma_wait3A_127] : memref<16384x128xf32, #tpu.memory_space<hbm>> -> memref<128x128xf32, #tpu.memory_space<hbm>>
      %dma_wait3A_129 = arith.constant 0 : i32
      %dma_wait3A_130 = tpu.memref_slice %arg4[%add3A_78, %dma_wait3A_129] : memref<16384x128xf32, #tpu.memory_space<hbm>> -> memref<128x128xf32, #tpu.memory_space<hbm>>
      %dma_wait3A_131 = arith.constant 0 : i32
      %dma_wait3A_132 = arith.constant 0 : i32
      %dma_wait3A_133 = tpu.memref_slice %arg6[%run_scoped3A_79, %dma_wait3A_131, %dma_wait3A_132] : memref<4x128x128xf32, #tpu.memory_space<vmem>> -> memref<1x128x128xf32, #tpu.memory_space<vmem>>
      %dma_wait3A_134 = tpu.memref_squeeze %dma_wait3A_133 : memref<1x128x128xf32, #tpu.memory_space<vmem>> -> memref<128x128xf32, #tpu.memory_space<vmem>>
      tpu.wait_dma2 semaphore(%run_scoped3A_110 : memref<!tpu.dma_semaphore, #tpu.memory_space<semaphore_mem>>) src(%dma_wait3A_134 : memref<128x128xf32, #tpu.memory_space<vmem>>) dst(%dma_wait3A_130 : memref<128x128xf32, #tpu.memory_space<hbm>>)
      tpu.yield
    }) : () -> ()
    %dma_wait3A_80 = arith.constant 2 : i32
    %dma_wait3A_81 = arith.constant 2 : i32
    %dma_wait3A_82 = arith.constant 0 : i32
    %dma_wait3A_83 = arith.constant 0 : i32
    %dma_wait3A_84 = tpu.memref_slice %arg6[%dma_wait3A_81, %dma_wait3A_82, %dma_wait3A_83] : memref<4x128x128xf32, #tpu.memory_space<vmem>> -> memref<1x128x128xf32, #tpu.memory_space<vmem>>
    %dma_wait3A_85 = tpu.memref_squeeze %dma_wait3A_84 : memref<1x128x128xf32, #tpu.memory_space<vmem>> -> memref<128x128xf32, #tpu.memory_space<vmem>>
    %dma_wait3A_86 = arith.constant 0 : i32
    %dma_wait3A_87 = tpu.memref_slice %arg5[%dma_wait3A_80, %dma_wait3A_86] : memref<4x128xi32, #tpu.memory_space<vmem>> -> memref<1x128xi32, #tpu.memory_space<vmem>>
    %dma_wait3A_88 = tpu.memref_squeeze %dma_wait3A_87 : memref<1x128xi32, #tpu.memory_space<vmem>> -> memref<128xi32, #tpu.memory_space<vmem>>
    %dma_wait3A_89 = arith.constant 0 : i32
    %dma_wait3A_90 = arith.constant 0 : i32
    %dma_wait3A_91 = tpu.memref_slice %arg3[%dma_wait3A_89, %dma_wait3A_90] : memref<1000000x128xf32, #tpu.memory_space<hbm>> -> memref<1000000x128xf32, #tpu.memory_space<hbm>>
    tpu.wait_indirect_dma semaphore(%arg7 : memref<!tpu.dma_semaphore, #tpu.memory_space<semaphore_mem>>) src(%dma_wait3A_91 : memref<1000000x128xf32, #tpu.memory_space<hbm>>) dst(%dma_wait3A_85 : memref<128x128xf32, #tpu.memory_space<vmem>>)
    %add3A_92 = arith.constant 256 : i32
    %add3A_93 = arith.addi %mul3A_2, %add3A_92 : i32
    %run_scoped3A_94 = arith.constant 2 : i32
    "tpu.region"() ({
      %run_scoped3A_110 = tpu.sem_alloc : memref<!tpu.dma_semaphore, #tpu.memory_space<semaphore_mem>>
      %dma_start3A_111 = arith.constant 0 : i32
      %dma_start3A_112 = arith.constant 0 : i32
      %dma_start3A_113 = tpu.memref_slice %arg6[%run_scoped3A_94, %dma_start3A_111, %dma_start3A_112] : memref<4x128x128xf32, #tpu.memory_space<vmem>> -> memref<1x128x128xf32, #tpu.memory_space<vmem>>
      %dma_start3A_114 = tpu.memref_squeeze %dma_start3A_113 : memref<1x128x128xf32, #tpu.memory_space<vmem>> -> memref<128x128xf32, #tpu.memory_space<vmem>>
      %dma_start3A_115 = arith.constant 0 : i32
      %dma_start3A_116 = tpu.memref_slice %arg4[%add3A_93, %dma_start3A_115] : memref<16384x128xf32, #tpu.memory_space<hbm>> -> memref<128x128xf32, #tpu.memory_space<hbm>>
      %dma_start3A_117 = arith.constant 0 : i32
      %dma_start3A_118 = tpu.memref_slice %arg4[%add3A_93, %dma_start3A_117] : memref<16384x128xf32, #tpu.memory_space<hbm>> -> memref<128x128xf32, #tpu.memory_space<hbm>>
      %dma_start3A_119 = arith.constant 0 : i32
      %dma_start3A_120 = arith.constant 0 : i32
      %dma_start3A_121 = tpu.memref_slice %arg6[%run_scoped3A_94, %dma_start3A_119, %dma_start3A_120] : memref<4x128x128xf32, #tpu.memory_space<vmem>> -> memref<1x128x128xf32, #tpu.memory_space<vmem>>
      %dma_start3A_122 = tpu.memref_squeeze %dma_start3A_121 : memref<1x128x128xf32, #tpu.memory_space<vmem>> -> memref<128x128xf32, #tpu.memory_space<vmem>>
      tpu.enqueue_dma source(%dma_start3A_122 : memref<128x128xf32, #tpu.memory_space<vmem>>) target(%dma_start3A_118 : memref<128x128xf32, #tpu.memory_space<hbm>>) target_semaphore(%run_scoped3A_110 : memref<!tpu.dma_semaphore, #tpu.memory_space<semaphore_mem>>)
      %dma_wait3A_123 = arith.constant 0 : i32
      %dma_wait3A_124 = arith.constant 0 : i32
      %dma_wait3A_125 = tpu.memref_slice %arg6[%run_scoped3A_94, %dma_wait3A_123, %dma_wait3A_124] : memref<4x128x128xf32, #tpu.memory_space<vmem>> -> memref<1x128x128xf32, #tpu.memory_space<vmem>>
      %dma_wait3A_126 = tpu.memref_squeeze %dma_wait3A_125 : memref<1x128x128xf32, #tpu.memory_space<vmem>> -> memref<128x128xf32, #tpu.memory_space<vmem>>
      %dma_wait3A_127 = arith.constant 0 : i32
      %dma_wait3A_128 = tpu.memref_slice %arg4[%add3A_93, %dma_wait3A_127] : memref<16384x128xf32, #tpu.memory_space<hbm>> -> memref<128x128xf32, #tpu.memory_space<hbm>>
      %dma_wait3A_129 = arith.constant 0 : i32
      %dma_wait3A_130 = tpu.memref_slice %arg4[%add3A_93, %dma_wait3A_129] : memref<16384x128xf32, #tpu.memory_space<hbm>> -> memref<128x128xf32, #tpu.memory_space<hbm>>
      %dma_wait3A_131 = arith.constant 0 : i32
      %dma_wait3A_132 = arith.constant 0 : i32
      %dma_wait3A_133 = tpu.memref_slice %arg6[%run_scoped3A_94, %dma_wait3A_131, %dma_wait3A_132] : memref<4x128x128xf32, #tpu.memory_space<vmem>> -> memref<1x128x128xf32, #tpu.memory_space<vmem>>
      %dma_wait3A_134 = tpu.memref_squeeze %dma_wait3A_133 : memref<1x128x128xf32, #tpu.memory_space<vmem>> -> memref<128x128xf32, #tpu.memory_space<vmem>>
      tpu.wait_dma2 semaphore(%run_scoped3A_110 : memref<!tpu.dma_semaphore, #tpu.memory_space<semaphore_mem>>) src(%dma_wait3A_134 : memref<128x128xf32, #tpu.memory_space<vmem>>) dst(%dma_wait3A_130 : memref<128x128xf32, #tpu.memory_space<hbm>>)
      tpu.yield
    }) : () -> ()
    %dma_wait3A_95 = arith.constant 3 : i32
    %dma_wait3A_96 = arith.constant 3 : i32
    %dma_wait3A_97 = arith.constant 0 : i32
    %dma_wait3A_98 = arith.constant 0 : i32
    %dma_wait3A_99 = tpu.memref_slice %arg6[%dma_wait3A_96, %dma_wait3A_97, %dma_wait3A_98] : memref<4x128x128xf32, #tpu.memory_space<vmem>> -> memref<1x128x128xf32, #tpu.memory_space<vmem>>
    %dma_wait3A_100 = tpu.memref_squeeze %dma_wait3A_99 : memref<1x128x128xf32, #tpu.memory_space<vmem>> -> memref<128x128xf32, #tpu.memory_space<vmem>>
    %dma_wait3A_101 = arith.constant 0 : i32
    %dma_wait3A_102 = tpu.memref_slice %arg5[%dma_wait3A_95, %dma_wait3A_101] : memref<4x128xi32, #tpu.memory_space<vmem>> -> memref<1x128xi32, #tpu.memory_space<vmem>>
    %dma_wait3A_103 = tpu.memref_squeeze %dma_wait3A_102 : memref<1x128xi32, #tpu.memory_space<vmem>> -> memref<128xi32, #tpu.memory_space<vmem>>
    %dma_wait3A_104 = arith.constant 0 : i32
    %dma_wait3A_105 = arith.constant 0 : i32
    %dma_wait3A_106 = tpu.memref_slice %arg3[%dma_wait3A_104, %dma_wait3A_105] : memref<1000000x128xf32, #tpu.memory_space<hbm>> -> memref<1000000x128xf32, #tpu.memory_space<hbm>>
    tpu.wait_indirect_dma semaphore(%arg7 : memref<!tpu.dma_semaphore, #tpu.memory_space<semaphore_mem>>) src(%dma_wait3A_106 : memref<1000000x128xf32, #tpu.memory_space<hbm>>) dst(%dma_wait3A_100 : memref<128x128xf32, #tpu.memory_space<vmem>>)
    %add3A_107 = arith.constant 384 : i32
    %add3A_108 = arith.addi %mul3A_2, %add3A_107 : i32
    %run_scoped3A_109 = arith.constant 3 : i32
    "tpu.region"() ({
      %run_scoped3A_110 = tpu.sem_alloc : memref<!tpu.dma_semaphore, #tpu.memory_space<semaphore_mem>>
      %dma_start3A_111 = arith.constant 0 : i32
      %dma_start3A_112 = arith.constant 0 : i32
      %dma_start3A_113 = tpu.memref_slice %arg6[%run_scoped3A_109, %dma_start3A_111, %dma_start3A_112] : memref<4x128x128xf32, #tpu.memory_space<vmem>> -> memref<1x128x128xf32, #tpu.memory_space<vmem>>
      %dma_start3A_114 = tpu.memref_squeeze %dma_start3A_113 : memref<1x128x128xf32, #tpu.memory_space<vmem>> -> memref<128x128xf32, #tpu.memory_space<vmem>>
      %dma_start3A_115 = arith.constant 0 : i32
      %dma_start3A_116 = tpu.memref_slice %arg4[%add3A_108, %dma_start3A_115] : memref<16384x128xf32, #tpu.memory_space<hbm>> -> memref<128x128xf32, #tpu.memory_space<hbm>>
      %dma_start3A_117 = arith.constant 0 : i32
      %dma_start3A_118 = tpu.memref_slice %arg4[%add3A_108, %dma_start3A_117] : memref<16384x128xf32, #tpu.memory_space<hbm>> -> memref<128x128xf32, #tpu.memory_space<hbm>>
      %dma_start3A_119 = arith.constant 0 : i32
      %dma_start3A_120 = arith.constant 0 : i32
      %dma_start3A_121 = tpu.memref_slice %arg6[%run_scoped3A_109, %dma_start3A_119, %dma_start3A_120] : memref<4x128x128xf32, #tpu.memory_space<vmem>> -> memref<1x128x128xf32, #tpu.memory_space<vmem>>
      %dma_start3A_122 = tpu.memref_squeeze %dma_start3A_121 : memref<1x128x128xf32, #tpu.memory_space<vmem>> -> memref<128x128xf32, #tpu.memory_space<vmem>>
      tpu.enqueue_dma source(%dma_start3A_122 : memref<128x128xf32, #tpu.memory_space<vmem>>) target(%dma_start3A_118 : memref<128x128xf32, #tpu.memory_space<hbm>>) target_semaphore(%run_scoped3A_110 : memref<!tpu.dma_semaphore, #tpu.memory_space<semaphore_mem>>)
      %dma_wait3A_123 = arith.constant 0 : i32
      %dma_wait3A_124 = arith.constant 0 : i32
      %dma_wait3A_125 = tpu.memref_slice %arg6[%run_scoped3A_109, %dma_wait3A_123, %dma_wait3A_124] : memref<4x128x128xf32, #tpu.memory_space<vmem>> -> memref<1x128x128xf32, #tpu.memory_space<vmem>>
      %dma_wait3A_126 = tpu.memref_squeeze %dma_wait3A_125 : memref<1x128x128xf32, #tpu.memory_space<vmem>> -> memref<128x128xf32, #tpu.memory_space<vmem>>
      %dma_wait3A_127 = arith.constant 0 : i32
      %dma_wait3A_128 = tpu.memref_slice %arg4[%add3A_108, %dma_wait3A_127] : memref<16384x128xf32, #tpu.memory_space<hbm>> -> memref<128x128xf32, #tpu.memory_space<hbm>>
      %dma_wait3A_129 = arith.constant 0 : i32
      %dma_wait3A_130 = tpu.memref_slice %arg4[%add3A_108, %dma_wait3A_129] : memref<16384x128xf32, #tpu.memory_space<hbm>> -> memref<128x128xf32, #tpu.memory_space<hbm>>
      %dma_wait3A_131 = arith.constant 0 : i32
      %dma_wait3A_132 = arith.constant 0 : i32
      %dma_wait3A_133 = tpu.memref_slice %arg6[%run_scoped3A_109, %dma_wait3A_131, %dma_wait3A_132] : memref<4x128x128xf32, #tpu.memory_space<vmem>> -> memref<1x128x128xf32, #tpu.memory_space<vmem>>
      %dma_wait3A_134 = tpu.memref_squeeze %dma_wait3A_133 : memref<1x128x128xf32, #tpu.memory_space<vmem>> -> memref<128x128xf32, #tpu.memory_space<vmem>>
      tpu.wait_dma2 semaphore(%run_scoped3A_110 : memref<!tpu.dma_semaphore, #tpu.memory_space<semaphore_mem>>) src(%dma_wait3A_134 : memref<128x128xf32, #tpu.memory_space<vmem>>) dst(%dma_wait3A_130 : memref<128x128xf32, #tpu.memory_space<hbm>>)
      tpu.yield
    }) : () -> ()
    return
  }
}

#map = affine_map<(d0, d1) -> (0, 0)>
#map1 = affine_map<(d0, d1) -> (0)>
module attributes {stable_mosaic.version = 14 : i64} {
  func.func @_lu_gather(%arg0: i32, %arg1: i32, %arg2: memref<128x128xi32, #tpu.memory_space<hbm>>, %arg3: memref<1000000xf32, #tpu.memory_space<hbm>>, %arg4: memref<16384xf32, #tpu.memory_space<hbm>>, %arg5: memref<4x128xi32, #tpu.memory_space<vmem>>, %arg6: memref<4x128xf32, #tpu.memory_space<vmem>>, %arg7: memref<!tpu.dma_semaphore, #tpu.memory_space<semaphore_mem>>) attributes {dimension_semantics = [#tpu.dimension_semantics<core_parallel>, #tpu.dimension_semantics<subcore_parallel>], iteration_bounds = array<i64: 2, 16>, scalar_prefetch = 0 : i64, scratch_operands = 3 : i64, tpu.core_type = #tpu.core_type<sc_vector_subcore>, window_params = [{transform_indices = #map}, {transform_indices = #map1}, {transform_indices = #map1}]} {
    %mul3A = arith.constant 2 : i32
    %mul3A_0 = arith.muli %arg1, %mul3A : i32
    %add3A = arith.addi %mul3A_0, %arg0 : i32
    %mul3A_1 = arith.constant 512 : i32
    %mul3A_2 = arith.muli %add3A, %mul3A_1 : i32
    %mul3A_3 = arith.constant 4 : i32
    %mul3A_4 = arith.muli %add3A, %mul3A_3 : i32
    "tpu.region"() ({
      %run_scoped3A_94 = tpu.sem_alloc : memref<!tpu.dma_semaphore, #tpu.memory_space<semaphore_mem>>
      %dma_start3A_95 = arith.constant 0 : i32
      %dma_start3A_96 = tpu.memref_slice %arg2[%mul3A_4, %dma_start3A_95] : memref<128x128xi32, #tpu.memory_space<hbm>> -> memref<4x128xi32, #tpu.memory_space<hbm>>
      %dma_start3A_97 = arith.constant 0 : i32
      %dma_start3A_98 = tpu.memref_slice %arg2[%mul3A_4, %dma_start3A_97] : memref<128x128xi32, #tpu.memory_space<hbm>> -> memref<4x128xi32, #tpu.memory_space<hbm>>
      tpu.enqueue_dma source(%dma_start3A_98 : memref<4x128xi32, #tpu.memory_space<hbm>>) target(%arg5 : memref<4x128xi32, #tpu.memory_space<vmem>>) target_semaphore(%run_scoped3A_94 : memref<!tpu.dma_semaphore, #tpu.memory_space<semaphore_mem>>)
      %dma_wait3A_99 = arith.constant 0 : i32
      %dma_wait3A_100 = tpu.memref_slice %arg2[%mul3A_4, %dma_wait3A_99] : memref<128x128xi32, #tpu.memory_space<hbm>> -> memref<4x128xi32, #tpu.memory_space<hbm>>
      %dma_wait3A_101 = arith.constant 0 : i32
      %dma_wait3A_102 = tpu.memref_slice %arg2[%mul3A_4, %dma_wait3A_101] : memref<128x128xi32, #tpu.memory_space<hbm>> -> memref<4x128xi32, #tpu.memory_space<hbm>>
      tpu.wait_dma2 semaphore(%run_scoped3A_94 : memref<!tpu.dma_semaphore, #tpu.memory_space<semaphore_mem>>) src(%dma_wait3A_102 : memref<4x128xi32, #tpu.memory_space<hbm>>) dst(%arg5 : memref<4x128xi32, #tpu.memory_space<vmem>>)
      tpu.yield
    }) : () -> ()
    %dma_start3A = arith.constant 0 : i32
    %dma_start3A_5 = arith.constant 0 : i32
    %dma_start3A_6 = arith.constant 0 : i32
    %dma_start3A_7 = tpu.memref_slice %arg6[%dma_start3A_5, %dma_start3A_6] : memref<4x128xf32, #tpu.memory_space<vmem>> -> memref<1x128xf32, #tpu.memory_space<vmem>>
    %dma_start3A_8 = tpu.memref_squeeze %dma_start3A_7 : memref<1x128xf32, #tpu.memory_space<vmem>> -> memref<128xf32, #tpu.memory_space<vmem>>
    %dma_start3A_9 = arith.constant 0 : i32
    %dma_start3A_10 = tpu.memref_slice %arg5[%dma_start3A, %dma_start3A_9] : memref<4x128xi32, #tpu.memory_space<vmem>> -> memref<1x128xi32, #tpu.memory_space<vmem>>
    %dma_start3A_11 = tpu.memref_squeeze %dma_start3A_10 : memref<1x128xi32, #tpu.memory_space<vmem>> -> memref<128xi32, #tpu.memory_space<vmem>>
    %dma_start3A_12 = arith.constant 0 : i32
    %dma_start3A_13 = tpu.memref_slice %arg3[%dma_start3A_12] : memref<1000000xf32, #tpu.memory_space<hbm>> -> memref<1000000xf32, #tpu.memory_space<hbm>>
    tpu.enqueue_indirect_dma source(%dma_start3A_13 : memref<1000000xf32, #tpu.memory_space<hbm>>) target(%dma_start3A_8 : memref<128xf32, #tpu.memory_space<vmem>>) offsets(%dma_start3A_11 : memref<128xi32, #tpu.memory_space<vmem>>) semaphore(%arg7 : memref<!tpu.dma_semaphore, #tpu.memory_space<semaphore_mem>>)
    %dma_start3A_14 = arith.constant 1 : i32
    %dma_start3A_15 = arith.constant 1 : i32
    %dma_start3A_16 = arith.constant 0 : i32
    %dma_start3A_17 = tpu.memref_slice %arg6[%dma_start3A_15, %dma_start3A_16] : memref<4x128xf32, #tpu.memory_space<vmem>> -> memref<1x128xf32, #tpu.memory_space<vmem>>
    %dma_start3A_18 = tpu.memref_squeeze %dma_start3A_17 : memref<1x128xf32, #tpu.memory_space<vmem>> -> memref<128xf32, #tpu.memory_space<vmem>>
    %dma_start3A_19 = arith.constant 0 : i32
    %dma_start3A_20 = tpu.memref_slice %arg5[%dma_start3A_14, %dma_start3A_19] : memref<4x128xi32, #tpu.memory_space<vmem>> -> memref<1x128xi32, #tpu.memory_space<vmem>>
    %dma_start3A_21 = tpu.memref_squeeze %dma_start3A_20 : memref<1x128xi32, #tpu.memory_space<vmem>> -> memref<128xi32, #tpu.memory_space<vmem>>
    %dma_start3A_22 = arith.constant 0 : i32
    %dma_start3A_23 = tpu.memref_slice %arg3[%dma_start3A_22] : memref<1000000xf32, #tpu.memory_space<hbm>> -> memref<1000000xf32, #tpu.memory_space<hbm>>
    tpu.enqueue_indirect_dma source(%dma_start3A_23 : memref<1000000xf32, #tpu.memory_space<hbm>>) target(%dma_start3A_18 : memref<128xf32, #tpu.memory_space<vmem>>) offsets(%dma_start3A_21 : memref<128xi32, #tpu.memory_space<vmem>>) semaphore(%arg7 : memref<!tpu.dma_semaphore, #tpu.memory_space<semaphore_mem>>)
    %dma_start3A_24 = arith.constant 2 : i32
    %dma_start3A_25 = arith.constant 2 : i32
    %dma_start3A_26 = arith.constant 0 : i32
    %dma_start3A_27 = tpu.memref_slice %arg6[%dma_start3A_25, %dma_start3A_26] : memref<4x128xf32, #tpu.memory_space<vmem>> -> memref<1x128xf32, #tpu.memory_space<vmem>>
    %dma_start3A_28 = tpu.memref_squeeze %dma_start3A_27 : memref<1x128xf32, #tpu.memory_space<vmem>> -> memref<128xf32, #tpu.memory_space<vmem>>
    %dma_start3A_29 = arith.constant 0 : i32
    %dma_start3A_30 = tpu.memref_slice %arg5[%dma_start3A_24, %dma_start3A_29] : memref<4x128xi32, #tpu.memory_space<vmem>> -> memref<1x128xi32, #tpu.memory_space<vmem>>
    %dma_start3A_31 = tpu.memref_squeeze %dma_start3A_30 : memref<1x128xi32, #tpu.memory_space<vmem>> -> memref<128xi32, #tpu.memory_space<vmem>>
    %dma_start3A_32 = arith.constant 0 : i32
    %dma_start3A_33 = tpu.memref_slice %arg3[%dma_start3A_32] : memref<1000000xf32, #tpu.memory_space<hbm>> -> memref<1000000xf32, #tpu.memory_space<hbm>>
    tpu.enqueue_indirect_dma source(%dma_start3A_33 : memref<1000000xf32, #tpu.memory_space<hbm>>) target(%dma_start3A_28 : memref<128xf32, #tpu.memory_space<vmem>>) offsets(%dma_start3A_31 : memref<128xi32, #tpu.memory_space<vmem>>) semaphore(%arg7 : memref<!tpu.dma_semaphore, #tpu.memory_space<semaphore_mem>>)
    %dma_start3A_34 = arith.constant 3 : i32
    %dma_start3A_35 = arith.constant 3 : i32
    %dma_start3A_36 = arith.constant 0 : i32
    %dma_start3A_37 = tpu.memref_slice %arg6[%dma_start3A_35, %dma_start3A_36] : memref<4x128xf32, #tpu.memory_space<vmem>> -> memref<1x128xf32, #tpu.memory_space<vmem>>
    %dma_start3A_38 = tpu.memref_squeeze %dma_start3A_37 : memref<1x128xf32, #tpu.memory_space<vmem>> -> memref<128xf32, #tpu.memory_space<vmem>>
    %dma_start3A_39 = arith.constant 0 : i32
    %dma_start3A_40 = tpu.memref_slice %arg5[%dma_start3A_34, %dma_start3A_39] : memref<4x128xi32, #tpu.memory_space<vmem>> -> memref<1x128xi32, #tpu.memory_space<vmem>>
    %dma_start3A_41 = tpu.memref_squeeze %dma_start3A_40 : memref<1x128xi32, #tpu.memory_space<vmem>> -> memref<128xi32, #tpu.memory_space<vmem>>
    %dma_start3A_42 = arith.constant 0 : i32
    %dma_start3A_43 = tpu.memref_slice %arg3[%dma_start3A_42] : memref<1000000xf32, #tpu.memory_space<hbm>> -> memref<1000000xf32, #tpu.memory_space<hbm>>
    tpu.enqueue_indirect_dma source(%dma_start3A_43 : memref<1000000xf32, #tpu.memory_space<hbm>>) target(%dma_start3A_38 : memref<128xf32, #tpu.memory_space<vmem>>) offsets(%dma_start3A_41 : memref<128xi32, #tpu.memory_space<vmem>>) semaphore(%arg7 : memref<!tpu.dma_semaphore, #tpu.memory_space<semaphore_mem>>)
    %dma_wait3A = arith.constant 0 : i32
    %dma_wait3A_44 = arith.constant 0 : i32
    %dma_wait3A_45 = arith.constant 0 : i32
    %dma_wait3A_46 = tpu.memref_slice %arg6[%dma_wait3A_44, %dma_wait3A_45] : memref<4x128xf32, #tpu.memory_space<vmem>> -> memref<1x128xf32, #tpu.memory_space<vmem>>
    %dma_wait3A_47 = tpu.memref_squeeze %dma_wait3A_46 : memref<1x128xf32, #tpu.memory_space<vmem>> -> memref<128xf32, #tpu.memory_space<vmem>>
    %dma_wait3A_48 = arith.constant 0 : i32
    %dma_wait3A_49 = tpu.memref_slice %arg5[%dma_wait3A, %dma_wait3A_48] : memref<4x128xi32, #tpu.memory_space<vmem>> -> memref<1x128xi32, #tpu.memory_space<vmem>>
    %dma_wait3A_50 = tpu.memref_squeeze %dma_wait3A_49 : memref<1x128xi32, #tpu.memory_space<vmem>> -> memref<128xi32, #tpu.memory_space<vmem>>
    %dma_wait3A_51 = arith.constant 0 : i32
    %dma_wait3A_52 = tpu.memref_slice %arg3[%dma_wait3A_51] : memref<1000000xf32, #tpu.memory_space<hbm>> -> memref<1000000xf32, #tpu.memory_space<hbm>>
    tpu.wait_indirect_dma semaphore(%arg7 : memref<!tpu.dma_semaphore, #tpu.memory_space<semaphore_mem>>) src(%dma_wait3A_52 : memref<1000000xf32, #tpu.memory_space<hbm>>) dst(%dma_wait3A_47 : memref<128xf32, #tpu.memory_space<vmem>>)
    %add3A_53 = arith.constant 0 : i32
    %add3A_54 = arith.addi %mul3A_2, %add3A_53 : i32
    %run_scoped3A = arith.constant 0 : i32
    "tpu.region"() ({
      %run_scoped3A_94 = tpu.sem_alloc : memref<!tpu.dma_semaphore, #tpu.memory_space<semaphore_mem>>
      %dma_start3A_95 = arith.constant 0 : i32
      %dma_start3A_96 = tpu.memref_slice %arg6[%run_scoped3A, %dma_start3A_95] : memref<4x128xf32, #tpu.memory_space<vmem>> -> memref<1x128xf32, #tpu.memory_space<vmem>>
      %dma_start3A_97 = tpu.memref_squeeze %dma_start3A_96 : memref<1x128xf32, #tpu.memory_space<vmem>> -> memref<128xf32, #tpu.memory_space<vmem>>
      %dma_start3A_98 = tpu.memref_slice %arg4[%add3A_54] : memref<16384xf32, #tpu.memory_space<hbm>> -> memref<128xf32, #tpu.memory_space<hbm>>
      %dma_start3A_99 = tpu.memref_slice %arg4[%add3A_54] : memref<16384xf32, #tpu.memory_space<hbm>> -> memref<128xf32, #tpu.memory_space<hbm>>
      %dma_start3A_100 = arith.constant 0 : i32
      %dma_start3A_101 = tpu.memref_slice %arg6[%run_scoped3A, %dma_start3A_100] : memref<4x128xf32, #tpu.memory_space<vmem>> -> memref<1x128xf32, #tpu.memory_space<vmem>>
      %dma_start3A_102 = tpu.memref_squeeze %dma_start3A_101 : memref<1x128xf32, #tpu.memory_space<vmem>> -> memref<128xf32, #tpu.memory_space<vmem>>
      tpu.enqueue_dma source(%dma_start3A_102 : memref<128xf32, #tpu.memory_space<vmem>>) target(%dma_start3A_99 : memref<128xf32, #tpu.memory_space<hbm>>) target_semaphore(%run_scoped3A_94 : memref<!tpu.dma_semaphore, #tpu.memory_space<semaphore_mem>>)
      %dma_wait3A_103 = arith.constant 0 : i32
      %dma_wait3A_104 = tpu.memref_slice %arg6[%run_scoped3A, %dma_wait3A_103] : memref<4x128xf32, #tpu.memory_space<vmem>> -> memref<1x128xf32, #tpu.memory_space<vmem>>
      %dma_wait3A_105 = tpu.memref_squeeze %dma_wait3A_104 : memref<1x128xf32, #tpu.memory_space<vmem>> -> memref<128xf32, #tpu.memory_space<vmem>>
      %dma_wait3A_106 = tpu.memref_slice %arg4[%add3A_54] : memref<16384xf32, #tpu.memory_space<hbm>> -> memref<128xf32, #tpu.memory_space<hbm>>
      %dma_wait3A_107 = tpu.memref_slice %arg4[%add3A_54] : memref<16384xf32, #tpu.memory_space<hbm>> -> memref<128xf32, #tpu.memory_space<hbm>>
      %dma_wait3A_108 = arith.constant 0 : i32
      %dma_wait3A_109 = tpu.memref_slice %arg6[%run_scoped3A, %dma_wait3A_108] : memref<4x128xf32, #tpu.memory_space<vmem>> -> memref<1x128xf32, #tpu.memory_space<vmem>>
      %dma_wait3A_110 = tpu.memref_squeeze %dma_wait3A_109 : memref<1x128xf32, #tpu.memory_space<vmem>> -> memref<128xf32, #tpu.memory_space<vmem>>
      tpu.wait_dma2 semaphore(%run_scoped3A_94 : memref<!tpu.dma_semaphore, #tpu.memory_space<semaphore_mem>>) src(%dma_wait3A_110 : memref<128xf32, #tpu.memory_space<vmem>>) dst(%dma_wait3A_107 : memref<128xf32, #tpu.memory_space<hbm>>)
      tpu.yield
    }) : () -> ()
    %dma_wait3A_55 = arith.constant 1 : i32
    %dma_wait3A_56 = arith.constant 1 : i32
    %dma_wait3A_57 = arith.constant 0 : i32
    %dma_wait3A_58 = tpu.memref_slice %arg6[%dma_wait3A_56, %dma_wait3A_57] : memref<4x128xf32, #tpu.memory_space<vmem>> -> memref<1x128xf32, #tpu.memory_space<vmem>>
    %dma_wait3A_59 = tpu.memref_squeeze %dma_wait3A_58 : memref<1x128xf32, #tpu.memory_space<vmem>> -> memref<128xf32, #tpu.memory_space<vmem>>
    %dma_wait3A_60 = arith.constant 0 : i32
    %dma_wait3A_61 = tpu.memref_slice %arg5[%dma_wait3A_55, %dma_wait3A_60] : memref<4x128xi32, #tpu.memory_space<vmem>> -> memref<1x128xi32, #tpu.memory_space<vmem>>
    %dma_wait3A_62 = tpu.memref_squeeze %dma_wait3A_61 : memref<1x128xi32, #tpu.memory_space<vmem>> -> memref<128xi32, #tpu.memory_space<vmem>>
    %dma_wait3A_63 = arith.constant 0 : i32
    %dma_wait3A_64 = tpu.memref_slice %arg3[%dma_wait3A_63] : memref<1000000xf32, #tpu.memory_space<hbm>> -> memref<1000000xf32, #tpu.memory_space<hbm>>
    tpu.wait_indirect_dma semaphore(%arg7 : memref<!tpu.dma_semaphore, #tpu.memory_space<semaphore_mem>>) src(%dma_wait3A_64 : memref<1000000xf32, #tpu.memory_space<hbm>>) dst(%dma_wait3A_59 : memref<128xf32, #tpu.memory_space<vmem>>)
    %add3A_65 = arith.constant 128 : i32
    %add3A_66 = arith.addi %mul3A_2, %add3A_65 : i32
    %run_scoped3A_67 = arith.constant 1 : i32
    "tpu.region"() ({
      %run_scoped3A_94 = tpu.sem_alloc : memref<!tpu.dma_semaphore, #tpu.memory_space<semaphore_mem>>
      %dma_start3A_95 = arith.constant 0 : i32
      %dma_start3A_96 = tpu.memref_slice %arg6[%run_scoped3A_67, %dma_start3A_95] : memref<4x128xf32, #tpu.memory_space<vmem>> -> memref<1x128xf32, #tpu.memory_space<vmem>>
      %dma_start3A_97 = tpu.memref_squeeze %dma_start3A_96 : memref<1x128xf32, #tpu.memory_space<vmem>> -> memref<128xf32, #tpu.memory_space<vmem>>
      %dma_start3A_98 = tpu.memref_slice %arg4[%add3A_66] : memref<16384xf32, #tpu.memory_space<hbm>> -> memref<128xf32, #tpu.memory_space<hbm>>
      %dma_start3A_99 = tpu.memref_slice %arg4[%add3A_66] : memref<16384xf32, #tpu.memory_space<hbm>> -> memref<128xf32, #tpu.memory_space<hbm>>
      %dma_start3A_100 = arith.constant 0 : i32
      %dma_start3A_101 = tpu.memref_slice %arg6[%run_scoped3A_67, %dma_start3A_100] : memref<4x128xf32, #tpu.memory_space<vmem>> -> memref<1x128xf32, #tpu.memory_space<vmem>>
      %dma_start3A_102 = tpu.memref_squeeze %dma_start3A_101 : memref<1x128xf32, #tpu.memory_space<vmem>> -> memref<128xf32, #tpu.memory_space<vmem>>
      tpu.enqueue_dma source(%dma_start3A_102 : memref<128xf32, #tpu.memory_space<vmem>>) target(%dma_start3A_99 : memref<128xf32, #tpu.memory_space<hbm>>) target_semaphore(%run_scoped3A_94 : memref<!tpu.dma_semaphore, #tpu.memory_space<semaphore_mem>>)
      %dma_wait3A_103 = arith.constant 0 : i32
      %dma_wait3A_104 = tpu.memref_slice %arg6[%run_scoped3A_67, %dma_wait3A_103] : memref<4x128xf32, #tpu.memory_space<vmem>> -> memref<1x128xf32, #tpu.memory_space<vmem>>
      %dma_wait3A_105 = tpu.memref_squeeze %dma_wait3A_104 : memref<1x128xf32, #tpu.memory_space<vmem>> -> memref<128xf32, #tpu.memory_space<vmem>>
      %dma_wait3A_106 = tpu.memref_slice %arg4[%add3A_66] : memref<16384xf32, #tpu.memory_space<hbm>> -> memref<128xf32, #tpu.memory_space<hbm>>
      %dma_wait3A_107 = tpu.memref_slice %arg4[%add3A_66] : memref<16384xf32, #tpu.memory_space<hbm>> -> memref<128xf32, #tpu.memory_space<hbm>>
      %dma_wait3A_108 = arith.constant 0 : i32
      %dma_wait3A_109 = tpu.memref_slice %arg6[%run_scoped3A_67, %dma_wait3A_108] : memref<4x128xf32, #tpu.memory_space<vmem>> -> memref<1x128xf32, #tpu.memory_space<vmem>>
      %dma_wait3A_110 = tpu.memref_squeeze %dma_wait3A_109 : memref<1x128xf32, #tpu.memory_space<vmem>> -> memref<128xf32, #tpu.memory_space<vmem>>
      tpu.wait_dma2 semaphore(%run_scoped3A_94 : memref<!tpu.dma_semaphore, #tpu.memory_space<semaphore_mem>>) src(%dma_wait3A_110 : memref<128xf32, #tpu.memory_space<vmem>>) dst(%dma_wait3A_107 : memref<128xf32, #tpu.memory_space<hbm>>)
      tpu.yield
    }) : () -> ()
    %dma_wait3A_68 = arith.constant 2 : i32
    %dma_wait3A_69 = arith.constant 2 : i32
    %dma_wait3A_70 = arith.constant 0 : i32
    %dma_wait3A_71 = tpu.memref_slice %arg6[%dma_wait3A_69, %dma_wait3A_70] : memref<4x128xf32, #tpu.memory_space<vmem>> -> memref<1x128xf32, #tpu.memory_space<vmem>>
    %dma_wait3A_72 = tpu.memref_squeeze %dma_wait3A_71 : memref<1x128xf32, #tpu.memory_space<vmem>> -> memref<128xf32, #tpu.memory_space<vmem>>
    %dma_wait3A_73 = arith.constant 0 : i32
    %dma_wait3A_74 = tpu.memref_slice %arg5[%dma_wait3A_68, %dma_wait3A_73] : memref<4x128xi32, #tpu.memory_space<vmem>> -> memref<1x128xi32, #tpu.memory_space<vmem>>
    %dma_wait3A_75 = tpu.memref_squeeze %dma_wait3A_74 : memref<1x128xi32, #tpu.memory_space<vmem>> -> memref<128xi32, #tpu.memory_space<vmem>>
    %dma_wait3A_76 = arith.constant 0 : i32
    %dma_wait3A_77 = tpu.memref_slice %arg3[%dma_wait3A_76] : memref<1000000xf32, #tpu.memory_space<hbm>> -> memref<1000000xf32, #tpu.memory_space<hbm>>
    tpu.wait_indirect_dma semaphore(%arg7 : memref<!tpu.dma_semaphore, #tpu.memory_space<semaphore_mem>>) src(%dma_wait3A_77 : memref<1000000xf32, #tpu.memory_space<hbm>>) dst(%dma_wait3A_72 : memref<128xf32, #tpu.memory_space<vmem>>)
    %add3A_78 = arith.constant 256 : i32
    %add3A_79 = arith.addi %mul3A_2, %add3A_78 : i32
    %run_scoped3A_80 = arith.constant 2 : i32
    "tpu.region"() ({
      %run_scoped3A_94 = tpu.sem_alloc : memref<!tpu.dma_semaphore, #tpu.memory_space<semaphore_mem>>
      %dma_start3A_95 = arith.constant 0 : i32
      %dma_start3A_96 = tpu.memref_slice %arg6[%run_scoped3A_80, %dma_start3A_95] : memref<4x128xf32, #tpu.memory_space<vmem>> -> memref<1x128xf32, #tpu.memory_space<vmem>>
      %dma_start3A_97 = tpu.memref_squeeze %dma_start3A_96 : memref<1x128xf32, #tpu.memory_space<vmem>> -> memref<128xf32, #tpu.memory_space<vmem>>
      %dma_start3A_98 = tpu.memref_slice %arg4[%add3A_79] : memref<16384xf32, #tpu.memory_space<hbm>> -> memref<128xf32, #tpu.memory_space<hbm>>
      %dma_start3A_99 = tpu.memref_slice %arg4[%add3A_79] : memref<16384xf32, #tpu.memory_space<hbm>> -> memref<128xf32, #tpu.memory_space<hbm>>
      %dma_start3A_100 = arith.constant 0 : i32
      %dma_start3A_101 = tpu.memref_slice %arg6[%run_scoped3A_80, %dma_start3A_100] : memref<4x128xf32, #tpu.memory_space<vmem>> -> memref<1x128xf32, #tpu.memory_space<vmem>>
      %dma_start3A_102 = tpu.memref_squeeze %dma_start3A_101 : memref<1x128xf32, #tpu.memory_space<vmem>> -> memref<128xf32, #tpu.memory_space<vmem>>
      tpu.enqueue_dma source(%dma_start3A_102 : memref<128xf32, #tpu.memory_space<vmem>>) target(%dma_start3A_99 : memref<128xf32, #tpu.memory_space<hbm>>) target_semaphore(%run_scoped3A_94 : memref<!tpu.dma_semaphore, #tpu.memory_space<semaphore_mem>>)
      %dma_wait3A_103 = arith.constant 0 : i32
      %dma_wait3A_104 = tpu.memref_slice %arg6[%run_scoped3A_80, %dma_wait3A_103] : memref<4x128xf32, #tpu.memory_space<vmem>> -> memref<1x128xf32, #tpu.memory_space<vmem>>
      %dma_wait3A_105 = tpu.memref_squeeze %dma_wait3A_104 : memref<1x128xf32, #tpu.memory_space<vmem>> -> memref<128xf32, #tpu.memory_space<vmem>>
      %dma_wait3A_106 = tpu.memref_slice %arg4[%add3A_79] : memref<16384xf32, #tpu.memory_space<hbm>> -> memref<128xf32, #tpu.memory_space<hbm>>
      %dma_wait3A_107 = tpu.memref_slice %arg4[%add3A_79] : memref<16384xf32, #tpu.memory_space<hbm>> -> memref<128xf32, #tpu.memory_space<hbm>>
      %dma_wait3A_108 = arith.constant 0 : i32
      %dma_wait3A_109 = tpu.memref_slice %arg6[%run_scoped3A_80, %dma_wait3A_108] : memref<4x128xf32, #tpu.memory_space<vmem>> -> memref<1x128xf32, #tpu.memory_space<vmem>>
      %dma_wait3A_110 = tpu.memref_squeeze %dma_wait3A_109 : memref<1x128xf32, #tpu.memory_space<vmem>> -> memref<128xf32, #tpu.memory_space<vmem>>
      tpu.wait_dma2 semaphore(%run_scoped3A_94 : memref<!tpu.dma_semaphore, #tpu.memory_space<semaphore_mem>>) src(%dma_wait3A_110 : memref<128xf32, #tpu.memory_space<vmem>>) dst(%dma_wait3A_107 : memref<128xf32, #tpu.memory_space<hbm>>)
      tpu.yield
    }) : () -> ()
    %dma_wait3A_81 = arith.constant 3 : i32
    %dma_wait3A_82 = arith.constant 3 : i32
    %dma_wait3A_83 = arith.constant 0 : i32
    %dma_wait3A_84 = tpu.memref_slice %arg6[%dma_wait3A_82, %dma_wait3A_83] : memref<4x128xf32, #tpu.memory_space<vmem>> -> memref<1x128xf32, #tpu.memory_space<vmem>>
    %dma_wait3A_85 = tpu.memref_squeeze %dma_wait3A_84 : memref<1x128xf32, #tpu.memory_space<vmem>> -> memref<128xf32, #tpu.memory_space<vmem>>
    %dma_wait3A_86 = arith.constant 0 : i32
    %dma_wait3A_87 = tpu.memref_slice %arg5[%dma_wait3A_81, %dma_wait3A_86] : memref<4x128xi32, #tpu.memory_space<vmem>> -> memref<1x128xi32, #tpu.memory_space<vmem>>
    %dma_wait3A_88 = tpu.memref_squeeze %dma_wait3A_87 : memref<1x128xi32, #tpu.memory_space<vmem>> -> memref<128xi32, #tpu.memory_space<vmem>>
    %dma_wait3A_89 = arith.constant 0 : i32
    %dma_wait3A_90 = tpu.memref_slice %arg3[%dma_wait3A_89] : memref<1000000xf32, #tpu.memory_space<hbm>> -> memref<1000000xf32, #tpu.memory_space<hbm>>
    tpu.wait_indirect_dma semaphore(%arg7 : memref<!tpu.dma_semaphore, #tpu.memory_space<semaphore_mem>>) src(%dma_wait3A_90 : memref<1000000xf32, #tpu.memory_space<hbm>>) dst(%dma_wait3A_85 : memref<128xf32, #tpu.memory_space<vmem>>)
    %add3A_91 = arith.constant 384 : i32
    %add3A_92 = arith.addi %mul3A_2, %add3A_91 : i32
    %run_scoped3A_93 = arith.constant 3 : i32
    "tpu.region"() ({
      %run_scoped3A_94 = tpu.sem_alloc : memref<!tpu.dma_semaphore, #tpu.memory_space<semaphore_mem>>
      %dma_start3A_95 = arith.constant 0 : i32
      %dma_start3A_96 = tpu.memref_slice %arg6[%run_scoped3A_93, %dma_start3A_95] : memref<4x128xf32, #tpu.memory_space<vmem>> -> memref<1x128xf32, #tpu.memory_space<vmem>>
      %dma_start3A_97 = tpu.memref_squeeze %dma_start3A_96 : memref<1x128xf32, #tpu.memory_space<vmem>> -> memref<128xf32, #tpu.memory_space<vmem>>
      %dma_start3A_98 = tpu.memref_slice %arg4[%add3A_92] : memref<16384xf32, #tpu.memory_space<hbm>> -> memref<128xf32, #tpu.memory_space<hbm>>
      %dma_start3A_99 = tpu.memref_slice %arg4[%add3A_92] : memref<16384xf32, #tpu.memory_space<hbm>> -> memref<128xf32, #tpu.memory_space<hbm>>
      %dma_start3A_100 = arith.constant 0 : i32
      %dma_start3A_101 = tpu.memref_slice %arg6[%run_scoped3A_93, %dma_start3A_100] : memref<4x128xf32, #tpu.memory_space<vmem>> -> memref<1x128xf32, #tpu.memory_space<vmem>>
      %dma_start3A_102 = tpu.memref_squeeze %dma_start3A_101 : memref<1x128xf32, #tpu.memory_space<vmem>> -> memref<128xf32, #tpu.memory_space<vmem>>
      tpu.enqueue_dma source(%dma_start3A_102 : memref<128xf32, #tpu.memory_space<vmem>>) target(%dma_start3A_99 : memref<128xf32, #tpu.memory_space<hbm>>) target_semaphore(%run_scoped3A_94 : memref<!tpu.dma_semaphore, #tpu.memory_space<semaphore_mem>>)
      %dma_wait3A_103 = arith.constant 0 : i32
      %dma_wait3A_104 = tpu.memref_slice %arg6[%run_scoped3A_93, %dma_wait3A_103] : memref<4x128xf32, #tpu.memory_space<vmem>> -> memref<1x128xf32, #tpu.memory_space<vmem>>
      %dma_wait3A_105 = tpu.memref_squeeze %dma_wait3A_104 : memref<1x128xf32, #tpu.memory_space<vmem>> -> memref<128xf32, #tpu.memory_space<vmem>>
      %dma_wait3A_106 = tpu.memref_slice %arg4[%add3A_92] : memref<16384xf32, #tpu.memory_space<hbm>> -> memref<128xf32, #tpu.memory_space<hbm>>
      %dma_wait3A_107 = tpu.memref_slice %arg4[%add3A_92] : memref<16384xf32, #tpu.memory_space<hbm>> -> memref<128xf32, #tpu.memory_space<hbm>>
      %dma_wait3A_108 = arith.constant 0 : i32
      %dma_wait3A_109 = tpu.memref_slice %arg6[%run_scoped3A_93, %dma_wait3A_108] : memref<4x128xf32, #tpu.memory_space<vmem>> -> memref<1x128xf32, #tpu.memory_space<vmem>>
      %dma_wait3A_110 = tpu.memref_squeeze %dma_wait3A_109 : memref<1x128xf32, #tpu.memory_space<vmem>> -> memref<128xf32, #tpu.memory_space<vmem>>
      tpu.wait_dma2 semaphore(%run_scoped3A_94 : memref<!tpu.dma_semaphore, #tpu.memory_space<semaphore_mem>>) src(%dma_wait3A_110 : memref<128xf32, #tpu.memory_space<vmem>>) dst(%dma_wait3A_107 : memref<128xf32, #tpu.memory_space<hbm>>)
      tpu.yield
    }) : () -> ()
    return
  }
}

</mosaic_0001>

<sc_bundles>
// kernel: kernel.4.cloned.1.call-start
scs
__scs_entry_jumppad:
0x0: {  	(pc) =	sbr.rel $0x88, $3  }
0x1: {  	(tag) =	ssettag $0x0;
	lr =	simm.s32 $0x1  }
0x2: {  	[smem:$0x3F9E] =	sst lr;
	_ =	strace $0xD0000000  }
0x3: {  	_ = 	snop  }
0x4: {  	_ = 	snop  }
0x5: {  	_ = 	snop  }
0x6: {  	_ = 	snop  }
0x7: {  	_ = 	snop  }
__scs_overlays_trampoline_lowered:
0x8: {  	[smem:$0x3FAD] =	sst s0  }
0x9: {  	[smem:$0x3FAE] =	sst s1  }
0xa: {  	[smem:$0x3FAF] =	sst s2  }
0xb: {  	[smem:$0x3FB0] =	sst s3  }
0xc: {  	[smem:$0x3FB1] =	sst s4  }
0xd: {  	[smem:$0x3FB2] =	sst s5  }
0xe: {  	[smem:$0x3FB3] =	sst s6  }
0xf: {  	[smem:$0x3FB4] =	sst s7  }
0x10: {  	[smem:$0x3FB5] =	sst s8  }
0x11: {  	[smem:$0x3FB6] =	sst s9;
	s0 =	simm.s32 @!p0 $0x0  }
0x12: {  	s1 =	sld [smem:$0x3F9C];
	s0 =	simm.s32 @p0 $0x1  }
0x13: {  	[smem:$0x3FB7] =	sst s0;
	s0 =	simm.s32 @!p1 $0x0  }
0x14: {  	s2 =	sld [smem:$0x3F9B];
	s0 =	simm.s32 @p1 $0x1  }
0x15: {  	[smem:$0x3FB8] =	sst s0;
	s0 =	simm.s32 @!p2 $0x0  }
0x16: {  	s3 =	sld [smem:$0x3FDB];
	s0 =	simm.s32 @p2 $0x1  }
0x17: {  	s4 =	simm.s32 $0x1BF5;
	[smem:$0x3FBA] =	sst s0  }
0x18: {  	s0 =	sld [smem:$0x3F9D];
	_ =	swait.ge [sflag:s4], $0x0  }
0x19: {  	s7 =	sld [smem:$0x3F9E]  }
0x1a: {  	s8 =	sadd.s32 $0xFFFFE003, lr  }
0x1b: {  	s9 =	sadd.s32 $0xFFFFFEF7, lr;
	s5 =	simm.s32 $0xFFFFFFFF;
	p2 =	slt.u32 s8, $0xFFFFF086  }
0x1c: {  	p1 =	slt.u32 s9, $0xF7A;
	s5 =	simm.s32 @!p2 $0x0  }
0x1d: {  	s5 =	simm.s32 @p1 $0x1;
	p0 =	seq.s32 s7, s2  }
0x1e: {  	s7 =	smul.u32 @!p0 $0xF7A, s2;
	p2 =	seq.s32 @!p0 s5, $0x0  }
0x1f: {  	s9 =	smul.u32 $0xF7A, s1;
	s8 =	simm.s32 @!p0 $0x1BF5;
	p2 =	por !p2, p0  }
0x20: {  	[sflag:s8] =	ssyncset.s32 @!p0 $0xFFFFF086;
	s6 =	sadd.s32 @!p0 s3, s7;
	s7 =	simm.s32 @!p0 $0x108  }
0x21: {  	s3 =	sadd.s32 s3, s9;
	s6 =	sadd.s32 @!p0 $0x88, s6;
	s7 =	simm.s32 @p2 $0x1082  }
0x22: {  	[simem:s7], [sflag:s8] =	dma.local @!p0 [hbm:s6], $0xF7A  }
0x23: {  	s9 =	sor.u32 $0xD0000000, s2;
	s6 =	simm.s32 $0x108;
	_ =	swait.ge @!p0 [sflag:s8], $0x0  }
0x24: {  	s3 =	sadd.s32 $0x88, s3;
	s6 =	simm.s32 @!p1 $0x1082;
	[sflag:s4] =	ssyncset.s32 $0xFFFFF086  }
0x25: {  	[simem:s6], [sflag:s4] =	dma.local [hbm:s3], $0xF7A  }
0x26: {  	[smem:$0x3F9E] =	sst s1;
	(tag) =	ssettag s2;
	_ =	strace s9  }
0x27: {  	s1 =	sld [smem:$0x3FAE]  }
0x28: {  	s2 =	sld [smem:$0x3FAF]  }
0x29: {  	s4 =	sld [smem:$0x3FB1]  }
0x2a: {  	p0 =	seq.s32 s5, $0x0;
	s5 =	sld [smem:$0x3FB2]  }
0x2b: {  	s6 =	sld [smem:$0x3FB3]  }
0x2c: {  	s7 =	sld [smem:$0x3FB4]  }
0x2d: {  	s3 =	simm.s32 $0x108;
	s8 =	sld [smem:$0x3FB5]  }
0x2e: {  	s3 =	simm.s32 @!p0 $0x1082;
	s9 =	sld [smem:$0x3FB6]  }
0x2f: {  	lr =	sadd.s32 s0, s3;
	s0 =	sld [smem:$0x3FAD]  }
0x30: {  	s3 =	sld [smem:$0x3FB0]  }
0x31: {  	[smem:$0x3FB9] =	sst s10  }
0x32: {  	s10 =	sld [smem:$0x3FB7];
	_ =	sdelay $0x3  }
0x33: {  	p0 =	seq.s32 s10, $0x1;
	s10 =	sld [smem:$0x3FB9];
	_ =	sdelay $0x3  }
0x34: {  	[smem:$0x3FB9] =	sst s10  }
0x35: {  	s10 =	sld [smem:$0x3FB8];
	_ =	sdelay $0x3  }
0x36: {  	p1 =	seq.s32 s10, $0x1;
	s10 =	sld [smem:$0x3FB9];
	_ =	sdelay $0x3  }
0x37: {  	[smem:$0x3FB9] =	sst s10  }
0x38: {  	s10 =	sld [smem:$0x3FBA]  }
0x39: {  	_ = 	snop;
	(pc) =	sbr.ind lr, $3  }
0x3a: {  	_ = 	snop  }
0x3b: {  	_ = 	snop  }
0x3c: {  	p2 =	seq.s32 s10, $0x1;
	s10 =	sld [smem:$0x3FB9]  }
0x3d: {  	_ =	shalt  }
0x3e: {  	_ =	shalt  }
0x3f: {  	_ =	shalt  }
0x40: {  	_ =	shalt  }
0x41: {  	_ =	shalt  }
0x42: {  	_ =	shalt  }
0x43: {  	_ =	shalt  }
0x44: {  	_ =	shalt  }
0x45: {  	_ =	shalt  }
0x46: {  	_ =	shalt  }
0x47: {  	_ =	shalt  }
0x48: {  	_ =	shalt  }
0x49: {  	_ =	shalt  }
0x4a: {  	_ =	shalt  }
0x4b: {  	_ =	shalt  }
0x4c: {  	_ =	shalt  }
0x4d: {  	_ =	shalt  }
0x4e: {  	_ =	shalt  }
0x4f: {  	_ =	shalt  }
0x50: {  	_ =	shalt  }
0x51: {  	_ =	shalt  }
0x52: {  	_ =	shalt  }
0x53: {  	_ =	shalt  }
0x54: {  	_ =	shalt  }
0x55: {  	_ =	shalt  }
0x56: {  	_ =	shalt  }
0x57: {  	_ =	shalt  }
0x58: {  	_ =	shalt  }
0x59: {  	_ =	shalt  }
0x5a: {  	_ =	shalt  }
0x5b: {  	_ =	shalt  }
0x5c: {  	_ =	shalt  }
0x5d: {  	_ =	shalt  }
0x5e: {  	_ =	shalt  }
0x5f: {  	_ =	shalt  }
0x60: {  	_ =	shalt  }
0x61: {  	_ =	shalt  }
0x62: {  	_ =	shalt  }
0x63: {  	_ =	shalt  }
0x64: {  	_ =	shalt  }
0x65: {  	_ =	shalt  }
0x66: {  	_ =	shalt  }
0x67: {  	_ =	shalt  }
0x68: {  	_ =	shalt  }
0x69: {  	_ =	shalt  }
0x6a: {  	_ =	shalt  }
0x6b: {  	_ =	shalt  }
0x6c: {  	_ =	shalt  }
0x6d: {  	_ =	shalt  }
0x6e: {  	_ =	shalt  }
0x6f: {  	_ =	shalt  }
0x70: {  	_ =	shalt  }
0x71: {  	_ =	shalt  }
0x72: {  	_ =	shalt  }
0x73: {  	_ =	shalt  }
0x74: {  	_ =	shalt  }
0x75: {  	_ =	shalt  }
0x76: {  	_ =	shalt  }
0x77: {  	_ =	shalt  }
0x78: {  	_ =	shalt  }
0x79: {  	_ =	shalt  }
0x7a: {  	_ =	shalt  }
0x7b: {  	_ =	shalt  }
0x7c: {  	_ =	shalt  }
0x7d: {  	_ =	shalt  }
0x7e: {  	_ =	shalt  }
0x7f: {  	_ =	shalt  }
0x80: {  	_ =	shalt  }
0x81: {  	_ =	shalt  }
0x82: {  	_ =	shalt  }
0x83: {  	_ =	shalt  }
0x84: {  	_ =	shalt  }
0x85: {  	_ =	shalt  }
0x86: {  	_ =	shalt  }
0x87: {  	_ =	shalt  }
.Lfunc_end0:
.L_simem_size_0:
called_computation_lowered:
.L_overlay_start_0:
0x88: {  	s2 =	sld [smem:$0x3FD9]  }
0x89: {  	s3 =	sld [smem:$0x3FFE];
	_ =	sdelay $0x1  }
0x8a: {  	s1 =	srdreg.scid  }
0x8b: {  	s0 =	sand.u32 $0x1, s1  }
0x8c: {  	s16 =	sshll.u32 s0, $0xA;
	s2 =	sadd.s32 s3, s2  }
0x8d: {  	s2 =	sadd.s32 s2, s16  }
0x8e: {  	[smem:$0x3FC5] =	sst s2  }
0x8f: {  	_ = 	snop  }
0x90: {  	s4 =	sld [smem:$0x3FD0];
	_ =	sdelay $0x1  }
0x91: {  	s2 =	sld [smem:$0x3FC9]  }
0x92: {  	s5 =	simm.s32 $0xB;
	s6 =	simm.s32 $0x10;
	s17 =	sld [smem:$0x3FC7]  }
0x93: {  	[smem:s6], [sflag:s5] =	dma.local [hbm:s4], $0x1  }
0x94: {  	_ =	swait.eq [sflag:s5], $0x1  }
0x95: {  	[sflag:s5] =	ssyncset.done $0x0  }
0x96: {  	[sflag:s5] =	ssyncadd.s32 $0xFFFFFFFF  }
0x97: {  	s18 =	sld [smem:$0x11];
	(tm) =	ssettm $0x1  }
0x98: {  	s19 =	sld [smem:$0x3FFB];
	_ =	sdelay $0x3  }
0x99: {  	_ =	strace s19  }
0x9a: {  	s4 =	sld [smem:$0x3FFC];
	_ =	sdelay $0x3  }
0x9b: {  	_ =	strace s4  }
0x9c: {  	s4 =	sld [smem:$0x3FFD];
	_ =	sdelay $0x3  }
0x9d: {  	_ =	strace s4  }
0x9e: {  	_ =	strace $0x8FFFFFFF  }
0x9f: {  	s20 =	sld [smem:$0x3FDB];
	_ =	sdelay $0x1  }
0xa0: {  	s21 =	simm.s32 $_scs_section_size  }
0xa1: {  	s7 =	simm.s32 $_size__tile_overlayer_lowered;
	s8 =	simm.s32 $_tile_overlayer_lowered  }
0xa2: {  	s9 =	simm.s32 $0x1BFF;
	s22 =	sshll.u32 s8, $0x1;
	s6 =	sadd.s32 s21, s20  }
0xa3: {  	s23 =	simm.s32 $0x0;
	s7 =	sshll.u32 s7, $0x1;
	s8 =	sadd.s32 s22, s6  }
0xa4: {  	[timem:s23], [sflag:s9] =	dma.local [hbm:s8], s7  }
0xa5: {  	_ =	swait.ge [sflag:s9], s7  }
0xa6: {  	s7 =	ssub.s32 $0x0, s7;
	[sflag:s9] =	ssyncset.done $0x0  }
0xa7: {  	[sflag:s9] =	ssyncadd.s32 s7;
	_ =	sdelay $0x1  }
0xa8: {  	s24 =	simm.s32 $0x1B8B  }
0xa9: {  	_ =	swait.ge [sflag:s24], $0x1  }
0xaa: {  	[sflag:s24] =	ssyncset.done $0x0  }
0xab: {  	[sflag:s24] =	ssyncadd.s32 $0xFFFFFFFF  }
0xac: {  	s7 =	sld [smem:$0x0]  }
0xad: {  	s8 =	sand.u32 $0xFFFFFFFE, s1  }
0xae: {  	p0 =	sne.s32 s1, s8  }
0xaf: {  	s8 =	sshll.u32 @p0 s8, $0xE  }
0xb0: {  	s8 =	sadd.s32 @p0 $0x11B8D, s8;
	s9 =	sshll.u32 @p0 s7, $0x11  }
0xb1: {  	s8 =	sor.u32 @p0 s9, s8  }
0xb2: {  	[sflag:s8] =	ssyncadd.remote.s32 @p0 $0x1;
	_ =	sdelay $0x1  }
0xb3: {  	s8 =	simm.s32 @p0 $0x1B8D  }
0xb4: {  	_ =	swait.eq @p0 [sflag:s8], $0x1  }
0xb5: {  	[sflag:s8] =	ssyncadd.s32 @p0 $0xFFFFFFFF  }
0xb6: {  	s9 =	sshll.u32 @!p0 s1, $0xE  }
0xb7: {  	s9 =	sor.u32 @!p0 $0x4000, s9;
	s8 =	simm.s32 @!p0 $0x1B8D  }
0xb8: {  	s7 =	sshll.u32 @!p0 s7, $0x11;
	s9 =	sadd.s32 @!p0 $0x11B8D, s9;
	_ =	swait.eq @!p0 [sflag:s8], $0x1  }
0xb9: {  	s7 =	sor.u32 @!p0 s7, s9;
	[sflag:s8] =	ssyncadd.s32 @!p0 $0xFFFFFFFF  }
0xba: {  	s25 =	simm.s32 $0x1B8E;
	[sflag:s7] =	ssyncadd.remote.s32 @!p0 $0x1  }
0xbb: {  	s26 =	simm.s32 $execute0_lowered;
	[smem:$0x3FD2] =	sst s25  }
0xbc: {  	s7 =	sshll.u32 s26, $0x1;
	_ =	strace $0x80000049;
	[dreg:$0x1] =	wrdreg $0xFFFFFFFF  }
0xbd: {  	s28 =	simm.s32 $_size_execute0_lowered;
	s6 =	sadd.s32 s6, s7;
	[dreg:$0x0] =	wrdreg $0x0  }
0xbe: {  	s7 =	sshll.u32 s28, $0x1;
	[dreg:$0x2] =	wrdreg s6  }
0xbf: {  	[dreg:$0x3] =	wrdreg s7  }
0xc0: {  	[dreg:$0x4] =	wrdreg $0xC0  }
0xc1: {  	_ =	task [dreg:s23], $0x5FFFF  }
0xc2: {  	[dreg:$0x1] =	wrdreg $0xFFFFFFFF  }
0xc3: {  	[dreg:$0x0] =	wrdreg $0x60  }
0xc4: {  	[dreg:$0x2] =	wrdreg s2  }
0xc5: {  	[dreg:$0x3] =	wrdreg s17  }
0xc6: {  	[dreg:$0x4] =	wrdreg s18  }
0xc7: {  	[dreg:$0x5] =	wrdreg $0x9  }
0xc8: {  	_ =	task.clear_ibuf [dreg:s23], $0x6FFFF;
	_ =	strace $0x90000049  }
0xc9: {  	s29 =	simm.s32 $0x9;
	_ =	strace $0x8000004B  }
0xca: {  	_ =	swait.ge [sflag:s29], $0x1  }
0xcb: {  	[sflag:s29] =	ssyncadd.s32 $0xFFFFFFFF  }
0xcc: {  	_ =	strace $0x9000004B  }
0xcd: {  	_ =	sfence  }
0xce: {  	s30 =	sld [smem:$0x0];
	_ =	sdelay $0x2  }
0xcf: {  	s31 =	sshll.u32 s1, $0xD;
	s1 =	sshrl.u32 s1, $0x2  }
0xd0: {  	s3 =	sand.u32 $0x4000, s31;
	s1 =	sadd.s32 s1, s30  }
0xd1: {  	s0 =	sor.u32 s3, s0;
	s1 =	sshll.u32 s1, $0x11  }
0xd2: {  	s0 =	sor.u32 s1, s0  }
0xd3: {  	s0 =	sadd.s32 $0x8F2B, s0  }
0xd4: {  	[sflag:s0] =	ssyncadd.remote.s32 $0x1  }
0xd5: {  	_ =	sfence.sel $0xFFFF  }
0xd6: {  	[dreg:$0x0] =	wrdreg $0xFFFFFFFF;
	(pc) =	sbr.abs _section_cstart, $3  }
0xd7: {  	[dreg:$0x1] =	wrdreg $0xFFFFFFFF  }
0xd8: {  	_ =	task.clear_ibuf [dreg:s23], $0x2FFFF;
	_ =	strace $0x9FFFFFFF  }
0xd9: {  	(tm) =	ssettm $0x7FFFFFFF  }
tec
execute0_lowered:
.L_overlay_start_1:
0x0: {  	(tag) =	ssettag $0x1  }
0x1: {  	s4 =	rddreg [dreg:$0x0]  }
0x2: {  	s1 =	rddreg [dreg:$0x1]  }
0x3: {  	s14 =	rddreg [dreg:$0x2];
	s2 =	srdreg.scid  }
0x4: {  	s0 =	rddreg [dreg:$0x3];
	s17 =	sand.u32 $0x1, s2  }
0x5: {  	s3 =	simm.s32 $0x0;
	s2 =	stileid.u32;
	s15 =	sshll.u32 s17, $0x6  }
0x6: {  	[smem:$0x7FF] =	sst s3;
	s16 =	sshll.u32 s2, $0x7;
	s4 =	sadd.s32 s4, s15  }
0x7: {  	_ =	strace $0x8000004A;
	s5 =	sadd.s32 s16, s4;
	s4 =	simm.s32 $0x2  }
0x8: {  	[tilespmem:s3], [sflag:$0x2] =	stream.linear.gather [hbm4b:s5+s3], $0x200, $0x38;
	[tilespmem:$0x400] =	vst v63  }
0x9: {  	_ =	swait.ge [sflag:s4], $0x200  }
0xa: {  	[sflag:s4] =	ssyncset.done $0x0  }
0xb: {  	s6 =	simm.s32 $0x80;
	s7 =	simm.s32 $0x200;
	[sflag:s4] =	ssyncadd.s32 $0xFFFFFE00  }
0xc: {  	[tilespmem:s7], [sflag:$0x1] =	stream.indirect.gather [hbm4b:s1+s6], $0x1, s3, s6, $0xb8;
	[tilespmem:$0x400] =	vst v63  }
0xd: {  	s8 =	simm.s32 $0x280  }
0xe: {  	[tilespmem:s8], [sflag:$0x1] =	stream.indirect.gather [hbm4b:s1+s6], $0x1, s6, s6, $0xb8;
	[tilespmem:$0x400] =	vst v63  }
0xf: {  	s9 =	simm.s32 $0x100;
	s10 =	simm.s32 $0x300  }
0x10: {  	[tilespmem:s10], [sflag:$0x1] =	stream.indirect.gather [hbm4b:s1+s6], $0x1, s9, s6, $0xb8;
	[tilespmem:$0x400] =	vst v63  }
0x11: {  	s11 =	simm.s32 $0x180;
	s12 =	simm.s32 $0x380;
	s13 =	simm.s32 $0x1  }
0x12: {  	[tilespmem:s12], [sflag:$0x1] =	stream.indirect.gather [hbm4b:s1+s6], $0x1, s11, s6, $0xb8;
	[tilespmem:$0x400] =	vst v63  }
0x13: {  	_ =	swait.ge [sflag:s13], $0x80  }
0x14: {  	s15 =	sor.u32 s15, s16;
	[sflag:s13] =	ssyncset.done $0x0  }
0x15: {  	s14 =	sadd.s32 s14, s15;
	[sflag:s13] =	ssyncadd.s32 $0xFFFFFF80  }
0x16: {  	[hbm4b:s14+s3] =	stream.linear.scatter [tilespmem:s7], [sflag:$0x2], $0x80, $0x38;
	[tilespmem:$0x400] =	vst v63  }
0x17: {  	_ =	swait.ge [sflag:s4], $0x80  }
0x18: {  	[sflag:s4] =	ssyncset.done $0x0  }
0x19: {  	[sflag:s4] =	ssyncadd.s32 $0xFFFFFF80  }
0x1a: {  	_ =	swait.ge [sflag:s13], $0x80  }
0x1b: {  	[sflag:s13] =	ssyncset.done $0x0  }
0x1c: {  	s15 =	sadd.s32 $0x10, s14;
	[sflag:s13] =	ssyncadd.s32 $0xFFFFFF80  }
0x1d: {  	[hbm4b:s15+s3] =	stream.linear.scatter [tilespmem:s8], [sflag:$0x2], $0x80, $0x38;
	[tilespmem:$0x400] =	vst v63  }
0x1e: {  	_ =	swait.ge [sflag:s4], $0x80  }
0x1f: {  	[sflag:s4] =	ssyncset.done $0x0  }
0x20: {  	[sflag:s4] =	ssyncadd.s32 $0xFFFFFF80  }
0x21: {  	_ =	swait.ge [sflag:s13], $0x80  }
0x22: {  	[sflag:s13] =	ssyncset.done $0x0  }
0x23: {  	s17 =	ssub.s32 $0x2, s17;
	s16 =	sadd.s32 $0x20, s14;
	[sflag:s13] =	ssyncadd.s32 $0xFFFFFF80  }
0x24: {  	[hbm4b:s16+s3] =	stream.linear.scatter [tilespmem:s10], [sflag:$0x2], $0x80, $0x38;
	[tilespmem:$0x400] =	vst v63  }
0x25: {  	s18 =	sshrl.u32 s17, $0x1;
	_ =	swait.ge [sflag:s4], $0x80  }
0x26: {  	s18 =	ssub.s32 s17, s18;
	[sflag:s4] =	ssyncset.done $0x0  }
0x27: {  	s18 =	smax.u32 s18, $0x1;
	[sflag:s4] =	ssyncadd.s32 $0xFFFFFF80  }
0x28: {  	p0 =	sne.s32 s18, $0x1;
	_ =	swait.ge [sflag:s13], $0x80  }
.Ltmp0:
0x29: {  	[sflag:s13] =	ssyncset.done $0x0;
	(pc) =	sbr.rel @!p0 .LBB2_2-.Ltmp0, $4  }
0x2a: {  	s17 =	sadd.s32 $0x30, s14;
	[sflag:s13] =	ssyncadd.s32 $0xFFFFFF80  }
0x2b: {  	[hbm4b:s17+s3] =	stream.linear.scatter [tilespmem:s12], [sflag:$0x2], $0x80, $0x38;
	[tilespmem:$0x400] =	vst v63  }
0x2c: {  	_ =	swait.ge [sflag:s4], $0x80  }
0x2d: {  	s18 =	sadd.s32 $0xFFFFFFFF, s18;
	[sflag:s4] =	ssyncset.done $0x0  }
.LBB2_1:
0x2e: {  	p0 =	sne.s32 s18, $0x1;
	s18 =	sadd.s32 $0xFFFFFFFF, s18;
	[sflag:s4] =	ssyncadd.s32 $0xFFFFFF80  }
0x2f: {  	[tilespmem:s3], [sflag:$0x2] =	stream.linear.gather [hbm4b:s5+s3], $0x200, $0x38;
	[tilespmem:$0x400] =	vst v63  }
0x30: {  	_ =	swait.ge [sflag:s4], $0x200  }
0x31: {  	[sflag:s4] =	ssyncset.done $0x0  }
0x32: {  	[sflag:s4] =	ssyncadd.s32 $0xFFFFFE00  }
0x33: {  	[tilespmem:s7], [sflag:$0x1] =	stream.indirect.gather [hbm4b:s1+s6], $0x1, s3, s6, $0xb8;
	[tilespmem:$0x400] =	vst v63  }
0x34: {  	_ = 	snop  }
0x35: {  	[tilespmem:s8], [sflag:$0x1] =	stream.indirect.gather [hbm4b:s1+s6], $0x1, s6, s6, $0xb8;
	[tilespmem:$0x400] =	vst v63  }
0x36: {  	_ = 	snop  }
0x37: {  	[tilespmem:s10], [sflag:$0x1] =	stream.indirect.gather [hbm4b:s1+s6], $0x1, s9, s6, $0xb8;
	[tilespmem:$0x400] =	vst v63  }
0x38: {  	_ = 	snop  }
0x39: {  	[tilespmem:s12], [sflag:$0x1] =	stream.indirect.gather [hbm4b:s1+s6], $0x1, s11, s6, $0xb8;
	[tilespmem:$0x400] =	vst v63  }
0x3a: {  	_ =	swait.ge [sflag:s13], $0x80  }
0x3b: {  	[sflag:s13] =	ssyncset.done $0x0  }
0x3c: {  	[sflag:s13] =	ssyncadd.s32 $0xFFFFFF80  }
0x3d: {  	[hbm4b:s14+s3] =	stream.linear.scatter [tilespmem:s7], [sflag:$0x2], $0x80, $0x38;
	[tilespmem:$0x400] =	vst v63  }
0x3e: {  	_ =	swait.ge [sflag:s4], $0x80  }
0x3f: {  	[sflag:s4] =	ssyncset.done $0x0  }
0x40: {  	[sflag:s4] =	ssyncadd.s32 $0xFFFFFF80  }
0x41: {  	_ =	swait.ge [sflag:s13], $0x80  }
0x42: {  	[sflag:s13] =	ssyncset.done $0x0  }
0x43: {  	[sflag:s13] =	ssyncadd.s32 $0xFFFFFF80  }
0x44: {  	[hbm4b:s15+s3] =	stream.linear.scatter [tilespmem:s8], [sflag:$0x2], $0x80, $0x38;
	[tilespmem:$0x400] =	vst v63  }
0x45: {  	_ =	swait.ge [sflag:s4], $0x80  }
0x46: {  	[sflag:s4] =	ssyncset.done $0x0  }
0x47: {  	[sflag:s4] =	ssyncadd.s32 $0xFFFFFF80  }
0x48: {  	_ =	swait.ge [sflag:s13], $0x80  }
0x49: {  	[sflag:s13] =	ssyncset.done $0x0  }
0x4a: {  	[sflag:s13] =	ssyncadd.s32 $0xFFFFFF80  }
0x4b: {  	[hbm4b:s16+s3] =	stream.linear.scatter [tilespmem:s10], [sflag:$0x2], $0x80, $0x38;
	[tilespmem:$0x400] =	vst v63  }
0x4c: {  	_ =	swait.ge [sflag:s4], $0x80  }
0x4d: {  	[sflag:s4] =	ssyncset.done $0x0  }
0x4e: {  	[sflag:s4] =	ssyncadd.s32 $0xFFFFFF80  }
0x4f: {  	_ =	swait.ge [sflag:s13], $0x80  }
.Ltmp1:
0x50: {  	[sflag:s13] =	ssyncset.done $0x0;
	(pc) =	sbr.rel @p0 .LBB2_1-.Ltmp1, $4  }
0x51: {  	[sflag:s13] =	ssyncadd.s32 $0xFFFFFF80  }
0x52: {  	[hbm4b:s17+s3] =	stream.linear.scatter [tilespmem:s12], [sflag:$0x2], $0x80, $0x38;
	[tilespmem:$0x400] =	vst v63  }
0x53: {  	_ =	swait.ge [sflag:s4], $0x80  }
0x54: {  	[sflag:s4] =	ssyncset.done $0x0  }
.LBB2_2:
0x55: {  	[sflag:s4] =	ssyncadd.s32 $0xFFFFFF80  }
0x56: {  	_ =	sfence.sel $0x180000  }
0x57: {  	[bflag:$0x0] =	sbarrier.arrive $0xFFFF  }
0x58: {  	p0 =	sne.s32 s2, $0x0;
	_ =	strace $0x9000004A  }
0x59: {  	s0 =	sadd.s32 @!p0 $0x100000, s0;
	[bflag:$0x2] =	sbarrier.arrive $0xFFFF  }
0x5a: {  	[sflag:s0] =	ssyncadd.tile.s32 @!p0 $0x1;
	_ =	shalt  }
.Lfunc_end2:
_tile_overlayer_lowered:
.L_overlay_start_2:
0x5b: {  	(tag) =	ssettag $0x2  }
0x5c: {  	s0 =	rddreg [dreg:$0x0];
	s2 =	stileid.u32  }
0x5d: {  	s1 =	rddreg [dreg:$0x1];
	p0 =	sne.s32 s2, $0x0  }
0x5e: {  	s3 =	rddreg [dreg:$0x2];
	[bflag:$0x3] =	sbarrier.arrive $0xFFFF;
	s2 =	simm.s32 @!p0 $0x1C02  }
0x5f: {  	[timem:s3], [sflag:s2] =	dma.local @!p0 [hbm:s0], s1  }
0x60: {  	s0 =	simm.s32 @!p0 $0x2  }
0x61: {  	_ =	swait.ge @!p0 [sflag:s0], s1  }
0x62: {  	s1 =	ssub.s32 @!p0 $0x0, s1;
	[sflag:s0] =	ssyncset.done @!p0 $0x0  }
0x63: {  	[sflag:s0] =	ssyncadd.s32 @!p0 s1  }
0x64: {  	[bflag:$0x3] =	sbarrier.arrive $0xFFFF  }
0x65: {  	_ =	shalt  }

// kernel: kernel.7.cloned.1.call-start
scs
__scs_entry_jumppad:
0x0: {  	(pc) =	sbr.rel $0x88, $3  }
0x1: {  	(tag) =	ssettag $0x0;
	lr =	simm.s32 $0x1  }
0x2: {  	[smem:$0x3F9E] =	sst lr;
	_ =	strace $0xD0000000  }
0x3: {  	_ = 	snop  }
0x4: {  	_ = 	snop  }
0x5: {  	_ = 	snop  }
0x6: {  	_ = 	snop  }
0x7: {  	_ = 	snop  }
__scs_overlays_trampoline_lowered:
0x8: {  	[smem:$0x3FAD] =	sst s0  }
0x9: {  	[smem:$0x3FAE] =	sst s1  }
0xa: {  	[smem:$0x3FAF] =	sst s2  }
0xb: {  	[smem:$0x3FB0] =	sst s3  }
0xc: {  	[smem:$0x3FB1] =	sst s4  }
0xd: {  	[smem:$0x3FB2] =	sst s5  }
0xe: {  	[smem:$0x3FB3] =	sst s6  }
0xf: {  	[smem:$0x3FB4] =	sst s7  }
0x10: {  	[smem:$0x3FB5] =	sst s8  }
0x11: {  	[smem:$0x3FB6] =	sst s9;
	s0 =	simm.s32 @!p0 $0x0  }
0x12: {  	s1 =	sld [smem:$0x3F9C];
	s0 =	simm.s32 @p0 $0x1  }
0x13: {  	[smem:$0x3FB7] =	sst s0;
	s0 =	simm.s32 @!p1 $0x0  }
0x14: {  	s2 =	sld [smem:$0x3F9B];
	s0 =	simm.s32 @p1 $0x1  }
0x15: {  	[smem:$0x3FB8] =	sst s0;
	s0 =	simm.s32 @!p2 $0x0  }
0x16: {  	s3 =	sld [smem:$0x3FDB];
	s0 =	simm.s32 @p2 $0x1  }
0x17: {  	s4 =	simm.s32 $0x1BF5;
	[smem:$0x3FBA] =	sst s0  }
0x18: {  	s0 =	sld [smem:$0x3F9D];
	_ =	swait.ge [sflag:s4], $0x0  }
0x19: {  	s7 =	sld [smem:$0x3F9E]  }
0x1a: {  	s8 =	sadd.s32 $0xFFFFE003, lr  }
0x1b: {  	s9 =	sadd.s32 $0xFFFFFEF7, lr;
	s5 =	simm.s32 $0xFFFFFFFF;
	p2 =	slt.u32 s8, $0xFFFFF086  }
0x1c: {  	p1 =	slt.u32 s9, $0xF7A;
	s5 =	simm.s32 @!p2 $0x0  }
0x1d: {  	s5 =	simm.s32 @p1 $0x1;
	p0 =	seq.s32 s7, s2  }
0x1e: {  	s7 =	smul.u32 @!p0 $0xF7A, s2;
	p2 =	seq.s32 @!p0 s5, $0x0  }
0x1f: {  	s9 =	smul.u32 $0xF7A, s1;
	s8 =	simm.s32 @!p0 $0x1BF5;
	p2 =	por !p2, p0  }
0x20: {  	[sflag:s8] =	ssyncset.s32 @!p0 $0xFFFFF086;
	s6 =	sadd.s32 @!p0 s3, s7;
	s7 =	simm.s32 @!p0 $0x108  }
0x21: {  	s3 =	sadd.s32 s3, s9;
	s6 =	sadd.s32 @!p0 $0x88, s6;
	s7 =	simm.s32 @p2 $0x1082  }
0x22: {  	[simem:s7], [sflag:s8] =	dma.local @!p0 [hbm:s6], $0xF7A  }
0x23: {  	s9 =	sor.u32 $0xD0000000, s2;
	s6 =	simm.s32 $0x108;
	_ =	swait.ge @!p0 [sflag:s8], $0x0  }
0x24: {  	s3 =	sadd.s32 $0x88, s3;
	s6 =	simm.s32 @!p1 $0x1082;
	[sflag:s4] =	ssyncset.s32 $0xFFFFF086  }
0x25: {  	[simem:s6], [sflag:s4] =	dma.local [hbm:s3], $0xF7A  }
0x26: {  	[smem:$0x3F9E] =	sst s1;
	(tag) =	ssettag s2;
	_ =	strace s9  }
0x27: {  	s1 =	sld [smem:$0x3FAE]  }
0x28: {  	s2 =	sld [smem:$0x3FAF]  }
0x29: {  	s4 =	sld [smem:$0x3FB1]  }
0x2a: {  	p0 =	seq.s32 s5, $0x0;
	s5 =	sld [smem:$0x3FB2]  }
0x2b: {  	s6 =	sld [smem:$0x3FB3]  }
0x2c: {  	s7 =	sld [smem:$0x3FB4]  }
0x2d: {  	s3 =	simm.s32 $0x108;
	s8 =	sld [smem:$0x3FB5]  }
0x2e: {  	s3 =	simm.s32 @!p0 $0x1082;
	s9 =	sld [smem:$0x3FB6]  }
0x2f: {  	lr =	sadd.s32 s0, s3;
	s0 =	sld [smem:$0x3FAD]  }
0x30: {  	s3 =	sld [smem:$0x3FB0]  }
0x31: {  	[smem:$0x3FB9] =	sst s10  }
0x32: {  	s10 =	sld [smem:$0x3FB7];
	_ =	sdelay $0x3  }
0x33: {  	p0 =	seq.s32 s10, $0x1;
	s10 =	sld [smem:$0x3FB9];
	_ =	sdelay $0x3  }
0x34: {  	[smem:$0x3FB9] =	sst s10  }
0x35: {  	s10 =	sld [smem:$0x3FB8];
	_ =	sdelay $0x3  }
0x36: {  	p1 =	seq.s32 s10, $0x1;
	s10 =	sld [smem:$0x3FB9];
	_ =	sdelay $0x3  }
0x37: {  	[smem:$0x3FB9] =	sst s10  }
0x38: {  	s10 =	sld [smem:$0x3FBA]  }
0x39: {  	_ = 	snop;
	(pc) =	sbr.ind lr, $3  }
0x3a: {  	_ = 	snop  }
0x3b: {  	_ = 	snop  }
0x3c: {  	p2 =	seq.s32 s10, $0x1;
	s10 =	sld [smem:$0x3FB9]  }
0x3d: {  	_ =	shalt  }
0x3e: {  	_ =	shalt  }
0x3f: {  	_ =	shalt  }
0x40: {  	_ =	shalt  }
0x41: {  	_ =	shalt  }
0x42: {  	_ =	shalt  }
0x43: {  	_ =	shalt  }
0x44: {  	_ =	shalt  }
0x45: {  	_ =	shalt  }
0x46: {  	_ =	shalt  }
0x47: {  	_ =	shalt  }
0x48: {  	_ =	shalt  }
0x49: {  	_ =	shalt  }
0x4a: {  	_ =	shalt  }
0x4b: {  	_ =	shalt  }
0x4c: {  	_ =	shalt  }
0x4d: {  	_ =	shalt  }
0x4e: {  	_ =	shalt  }
0x4f: {  	_ =	shalt  }
0x50: {  	_ =	shalt  }
0x51: {  	_ =	shalt  }
0x52: {  	_ =	shalt  }
0x53: {  	_ =	shalt  }
0x54: {  	_ =	shalt  }
0x55: {  	_ =	shalt  }
0x56: {  	_ =	shalt  }
0x57: {  	_ =	shalt  }
0x58: {  	_ =	shalt  }
0x59: {  	_ =	shalt  }
0x5a: {  	_ =	shalt  }
0x5b: {  	_ =	shalt  }
0x5c: {  	_ =	shalt  }
0x5d: {  	_ =	shalt  }
0x5e: {  	_ =	shalt  }
0x5f: {  	_ =	shalt  }
0x60: {  	_ =	shalt  }
0x61: {  	_ =	shalt  }
0x62: {  	_ =	shalt  }
0x63: {  	_ =	shalt  }
0x64: {  	_ =	shalt  }
0x65: {  	_ =	shalt  }
0x66: {  	_ =	shalt  }
0x67: {  	_ =	shalt  }
0x68: {  	_ =	shalt  }
0x69: {  	_ =	shalt  }
0x6a: {  	_ =	shalt  }
0x6b: {  	_ =	shalt  }
0x6c: {  	_ =	shalt  }
0x6d: {  	_ =	shalt  }
0x6e: {  	_ =	shalt  }
0x6f: {  	_ =	shalt  }
0x70: {  	_ =	shalt  }
0x71: {  	_ =	shalt  }
0x72: {  	_ =	shalt  }
0x73: {  	_ =	shalt  }
0x74: {  	_ =	shalt  }
0x75: {  	_ =	shalt  }
0x76: {  	_ =	shalt  }
0x77: {  	_ =	shalt  }
0x78: {  	_ =	shalt  }
0x79: {  	_ =	shalt  }
0x7a: {  	_ =	shalt  }
0x7b: {  	_ =	shalt  }
0x7c: {  	_ =	shalt  }
0x7d: {  	_ =	shalt  }
0x7e: {  	_ =	shalt  }
0x7f: {  	_ =	shalt  }
0x80: {  	_ =	shalt  }
0x81: {  	_ =	shalt  }
0x82: {  	_ =	shalt  }
0x83: {  	_ =	shalt  }
0x84: {  	_ =	shalt  }
0x85: {  	_ =	shalt  }
0x86: {  	_ =	shalt  }
0x87: {  	_ =	shalt  }
.Lfunc_end0:
.L_simem_size_0:
called_computation.1_lowered:
.L_overlay_start_0:
0x88: {  	s2 =	sld [smem:$0x3FD9]  }
0x89: {  	s3 =	sld [smem:$0x3FFE];
	_ =	sdelay $0x1  }
0x8a: {  	s1 =	srdreg.scid  }
0x8b: {  	s0 =	sand.u32 $0x1, s1  }
0x8c: {  	s17 =	sshll.u32 s0, $0xA;
	s2 =	sadd.s32 s3, s2  }
0x8d: {  	s2 =	sadd.s32 s2, s17  }
0x8e: {  	[smem:$0x3FC5] =	sst s2  }
0x8f: {  	_ = 	snop  }
0x90: {  	s2 =	sld [smem:$0x3FC9];
	(tm) =	ssettm $0x1  }
0x91: {  	s18 =	sld [smem:$0x3FFB];
	_ =	sdelay $0x3  }
0x92: {  	_ =	strace s18  }
0x93: {  	s3 =	sld [smem:$0x3FFC];
	_ =	sdelay $0x3  }
0x94: {  	_ =	strace s3  }
0x95: {  	s3 =	sld [smem:$0x3FFD];
	_ =	sdelay $0x3  }
0x96: {  	_ =	strace s3  }
0x97: {  	_ =	strace $0x8FFFFFFF  }
0x98: {  	s19 =	sld [smem:$0x3FDB];
	_ =	sdelay $0x1  }
0x99: {  	s4 =	simm.s32 $_scs_section_size  }
0x9a: {  	s5 =	simm.s32 $_size__tile_overlayer_lowered;
	s6 =	simm.s32 $_tile_overlayer_lowered  }
0x9b: {  	s22 =	simm.s32 $0x1BFF;
	s21 =	sshll.u32 s6, $0x1;
	s3 =	sadd.s32 s4, s19  }
0x9c: {  	s7 =	simm.s32 $0x0;
	s20 =	sshll.u32 s5, $0x1;
	s5 =	sadd.s32 s21, s3  }
0x9d: {  	[timem:s7], [sflag:s22] =	dma.local [hbm:s5], s20  }
0x9e: {  	_ =	swait.ge [sflag:s22], s20  }
0x9f: {  	s4 =	ssub.s32 $0x0, s20;
	[sflag:s22] =	ssyncset.done $0x0  }
0xa0: {  	[sflag:s22] =	ssyncadd.s32 s4;
	_ =	sdelay $0x1  }
0xa1: {  	s23 =	simm.s32 $0x1B8B  }
0xa2: {  	_ =	swait.ge [sflag:s23], $0x1  }
0xa3: {  	[sflag:s23] =	ssyncset.done $0x0  }
0xa4: {  	s25 =	simm.s32 $0x1B8E;
	s24 =	sld [smem:$0x3FFE];
	[sflag:s23] =	ssyncadd.s32 $0xFFFFFFFF  }
0xa5: {  	s26 =	simm.s32 $execute0_lowered;
	[smem:$0x3FD2] =	sst s25  }
0xa6: {  	s5 =	sshll.u32 s26, $0x1;
	_ =	strace $0x80000046;
	[dreg:$0x1] =	wrdreg $0xFFFFFFFF  }
0xa7: {  	s28 =	simm.s32 $_size_execute0_lowered;
	s3 =	sadd.s32 s3, s5;
	[dreg:$0x0] =	wrdreg $0x0  }
0xa8: {  	s5 =	sshll.u32 s28, $0x1;
	[dreg:$0x2] =	wrdreg s3  }
0xa9: {  	[dreg:$0x3] =	wrdreg s5  }
0xaa: {  	[dreg:$0x4] =	wrdreg $0xC0  }
0xab: {  	_ =	task [dreg:s7], $0x5FFFF  }
0xac: {  	[dreg:$0x1] =	wrdreg $0xFFFFFFFF  }
0xad: {  	[dreg:$0x0] =	wrdreg $0x60  }
0xae: {  	[dreg:$0x2] =	wrdreg s2  }
0xaf: {  	[dreg:$0x3] =	wrdreg s24  }
0xb0: {  	[dreg:$0x4] =	wrdreg $0xA  }
0xb1: {  	_ =	task.clear_ibuf [dreg:s7], $0x5FFFF;
	_ =	strace $0x90000046  }
0xb2: {  	s29 =	simm.s32 $0xA;
	_ =	strace $0x80000048  }
0xb3: {  	_ =	swait.ge [sflag:s29], $0x1  }
0xb4: {  	[sflag:s29] =	ssyncadd.s32 $0xFFFFFFFF  }
0xb5: {  	_ =	strace $0x90000048  }
0xb6: {  	_ =	sfence  }
0xb7: {  	s30 =	sld [smem:$0x0];
	_ =	sdelay $0x2  }
0xb8: {  	s31 =	sshll.u32 s1, $0xD;
	s1 =	sshrl.u32 s1, $0x2  }
0xb9: {  	s3 =	sand.u32 $0x4000, s31;
	s1 =	sadd.s32 s1, s30  }
0xba: {  	s0 =	sor.u32 s3, s0;
	s1 =	sshll.u32 s1, $0x11  }
0xbb: {  	s0 =	sor.u32 s1, s0  }
0xbc: {  	s0 =	sadd.s32 $0x8F2B, s0  }
0xbd: {  	[sflag:s0] =	ssyncadd.remote.s32 $0x1  }
0xbe: {  	_ =	sfence.sel $0xFFFF  }
0xbf: {  	[dreg:$0x0] =	wrdreg $0xFFFFFFFF;
	(pc) =	sbr.abs _section_cstart, $3  }
0xc0: {  	[dreg:$0x1] =	wrdreg $0xFFFFFFFF  }
0xc1: {  	_ =	task.clear_ibuf [dreg:s7], $0x2FFFF;
	_ =	strace $0x9FFFFFFF  }
0xc2: {  	(tm) =	ssettm $0x7FFFFFFF  }
0xc3: {  	_ =	shalt  }
tec
execute0_lowered:
.L_overlay_start_1:
0x0: {  	(tag) =	ssettag $0x1  }
0x1: {  	s3 =	rddreg [dreg:$0x0]  }
0x2: {  	s14 =	rddreg [dreg:$0x1];
	s1 =	srdreg.scid  }
0x3: {  	s0 =	rddreg [dreg:$0x2];
	s17 =	sand.u32 $0x1, s1  }
0x4: {  	s2 =	simm.s32 $0x0;
	s1 =	stileid.u32;
	s4 =	sshll.u32 s17, $0x6  }
0x5: {  	[smem:$0x7FF] =	sst s2;
	s5 =	sshll.u32 s1, $0x7;
	s3 =	sadd.s32 s3, s4  }
0x6: {  	_ =	strace $0x80000047;
	s4 =	sadd.s32 s5, s3;
	s3 =	simm.s32 $0x2  }
0x7: {  	[tilespmem:s2], [sflag:$0x2] =	stream.linear.gather [hbm4b:s4+s2], $0x200, $0x38;
	[tilespmem:$0x10200] =	vst v63  }
0x8: {  	_ =	swait.ge [sflag:s3], $0x200  }
0x9: {  	s6 =	simm.s32 $0x80;
	[sflag:s3] =	ssyncset.done $0x0  }
0xa: {  	s7 =	simm.s32 $0x200;
	s5 =	sadd.s32 $0x800, s14;
	[sflag:s3] =	ssyncadd.s32 $0xFFFFFE00  }
0xb: {  	[tilespmem:s7], [sflag:$0x1] =	stream.indirect.gather [hbm4b:s5+s6], $0x80, s2, s6, $0xb8;
	[tilespmem:$0x10200] =	vst v63  }
0xc: {  	s8 =	simm.s32 $0x4200;
	s9 =	simm.s32 $0x100  }
0xd: {  	[tilespmem:s8], [sflag:$0x1] =	stream.indirect.gather [hbm4b:s5+s6], $0x80, s6, s6, $0xb8;
	[tilespmem:$0x10200] =	vst v63  }
0xe: {  	s10 =	simm.s32 $0x8200;
	s11 =	simm.s32 $0x180;
	s12 =	simm.s32 $0xC200  }
0xf: {  	[tilespmem:s10], [sflag:$0x1] =	stream.indirect.gather [hbm4b:s5+s6], $0x80, s9, s6, $0xb8;
	[tilespmem:$0x10200] =	vst v63  }
0x10: {  	s13 =	simm.s32 $0x1;
	s15 =	sshll.u32 s1, $0xE;
	s16 =	sshll.u32 s17, $0xD  }
0x11: {  	[tilespmem:s12], [sflag:$0x1] =	stream.indirect.gather [hbm4b:s5+s6], $0x80, s11, s6, $0xb8;
	[tilespmem:$0x10200] =	vst v63  }
0x12: {  	s15 =	sor.u32 s16, s15;
	_ =	swait.ge [sflag:s13], $0x4000  }
0x13: {  	s18 =	sadd.s32 s15, s14;
	[sflag:s13] =	ssyncset.done $0x0  }
0x14: {  	s14 =	sadd.s32 $0xF42C00, s18;
	[sflag:s13] =	ssyncadd.s32 $0xFFFFC000  }
0x15: {  	[hbm4b:s14+s2] =	stream.linear.scatter [tilespmem:s7], [sflag:$0x2], $0x4000, $0x38;
	[tilespmem:$0x10200] =	vst v63  }
0x16: {  	_ =	swait.ge [sflag:s3], $0x4000  }
0x17: {  	[sflag:s3] =	ssyncset.done $0x0  }
0x18: {  	[sflag:s3] =	ssyncadd.s32 $0xFFFFC000  }
0x19: {  	_ =	swait.ge [sflag:s13], $0x4000  }
0x1a: {  	[sflag:s13] =	ssyncset.done $0x0  }
0x1b: {  	s15 =	sadd.s32 $0xF43400, s18;
	[sflag:s13] =	ssyncadd.s32 $0xFFFFC000  }
0x1c: {  	[hbm4b:s15+s2] =	stream.linear.scatter [tilespmem:s8], [sflag:$0x2], $0x4000, $0x38;
	[tilespmem:$0x10200] =	vst v63  }
0x1d: {  	_ =	swait.ge [sflag:s3], $0x4000  }
0x1e: {  	[sflag:s3] =	ssyncset.done $0x0  }
0x1f: {  	[sflag:s3] =	ssyncadd.s32 $0xFFFFC000  }
0x20: {  	_ =	swait.ge [sflag:s13], $0x4000  }
0x21: {  	[sflag:s13] =	ssyncset.done $0x0  }
0x22: {  	s17 =	ssub.s32 $0x2, s17;
	s16 =	sadd.s32 $0xF43C00, s18;
	[sflag:s13] =	ssyncadd.s32 $0xFFFFC000  }
0x23: {  	[hbm4b:s16+s2] =	stream.linear.scatter [tilespmem:s10], [sflag:$0x2], $0x4000, $0x38;
	[tilespmem:$0x10200] =	vst v63  }
0x24: {  	s19 =	sshrl.u32 s17, $0x1;
	_ =	swait.ge [sflag:s3], $0x4000  }
0x25: {  	s19 =	ssub.s32 s17, s19;
	[sflag:s3] =	ssyncset.done $0x0  }
0x26: {  	s31 =	smax.u32 s19, $0x1;
	[sflag:s3] =	ssyncadd.s32 $0xFFFFC000  }
0x27: {  	p0 =	sne.s32 s31, $0x1;
	_ =	swait.ge [sflag:s13], $0x4000  }
.Ltmp0:
0x28: {  	[sflag:s13] =	ssyncset.done $0x0;
	(pc) =	sbr.rel @!p0 .LBB2_2-.Ltmp0, $4  }
0x29: {  	s17 =	sadd.s32 $0xF44400, s18;
	[sflag:s13] =	ssyncadd.s32 $0xFFFFC000  }
0x2a: {  	[hbm4b:s17+s2] =	stream.linear.scatter [tilespmem:s12], [sflag:$0x2], $0x4000, $0x38;
	[tilespmem:$0x10200] =	vst v63  }
0x2b: {  	_ =	swait.ge [sflag:s3], $0x4000  }
0x2c: {  	s18 =	sadd.s32 $0xFFFFFFFF, s31;
	[sflag:s3] =	ssyncset.done $0x0  }
.LBB2_1:
0x2d: {  	p0 =	sne.s32 s18, $0x1;
	s18 =	sadd.s32 $0xFFFFFFFF, s18;
	[sflag:s3] =	ssyncadd.s32 $0xFFFFC000  }
0x2e: {  	[tilespmem:s2], [sflag:$0x2] =	stream.linear.gather [hbm4b:s4+s2], $0x200, $0x38;
	[tilespmem:$0x10200] =	vst v63  }
0x2f: {  	_ =	swait.ge [sflag:s3], $0x200  }
0x30: {  	[sflag:s3] =	ssyncset.done $0x0  }
0x31: {  	[sflag:s3] =	ssyncadd.s32 $0xFFFFFE00  }
0x32: {  	[tilespmem:s7], [sflag:$0x1] =	stream.indirect.gather [hbm4b:s5+s6], $0x80, s2, s6, $0xb8;
	[tilespmem:$0x10200] =	vst v63  }
0x33: {  	_ = 	snop  }
0x34: {  	[tilespmem:s8], [sflag:$0x1] =	stream.indirect.gather [hbm4b:s5+s6], $0x80, s6, s6, $0xb8;
	[tilespmem:$0x10200] =	vst v63  }
0x35: {  	_ = 	snop  }
0x36: {  	[tilespmem:s10], [sflag:$0x1] =	stream.indirect.gather [hbm4b:s5+s6], $0x80, s9, s6, $0xb8;
	[tilespmem:$0x10200] =	vst v63  }
0x37: {  	_ = 	snop  }
0x38: {  	[tilespmem:s12], [sflag:$0x1] =	stream.indirect.gather [hbm4b:s5+s6], $0x80, s11, s6, $0xb8;
	[tilespmem:$0x10200] =	vst v63  }
0x39: {  	_ =	swait.ge [sflag:s13], $0x4000  }
0x3a: {  	[sflag:s13] =	ssyncset.done $0x0  }
0x3b: {  	[sflag:s13] =	ssyncadd.s32 $0xFFFFC000  }
0x3c: {  	[hbm4b:s14+s2] =	stream.linear.scatter [tilespmem:s7], [sflag:$0x2], $0x4000, $0x38;
	[tilespmem:$0x10200] =	vst v63  }
0x3d: {  	_ =	swait.ge [sflag:s3], $0x4000  }
0x3e: {  	[sflag:s3] =	ssyncset.done $0x0  }
0x3f: {  	[sflag:s3] =	ssyncadd.s32 $0xFFFFC000  }
0x40: {  	_ =	swait.ge [sflag:s13], $0x4000  }
0x41: {  	[sflag:s13] =	ssyncset.done $0x0  }
0x42: {  	[sflag:s13] =	ssyncadd.s32 $0xFFFFC000  }
0x43: {  	[hbm4b:s15+s2] =	stream.linear.scatter [tilespmem:s8], [sflag:$0x2], $0x4000, $0x38;
	[tilespmem:$0x10200] =	vst v63  }
0x44: {  	_ =	swait.ge [sflag:s3], $0x4000  }
0x45: {  	[sflag:s3] =	ssyncset.done $0x0  }
0x46: {  	[sflag:s3] =	ssyncadd.s32 $0xFFFFC000  }
0x47: {  	_ =	swait.ge [sflag:s13], $0x4000  }
0x48: {  	[sflag:s13] =	ssyncset.done $0x0  }
0x49: {  	[sflag:s13] =	ssyncadd.s32 $0xFFFFC000  }
0x4a: {  	[hbm4b:s16+s2] =	stream.linear.scatter [tilespmem:s10], [sflag:$0x2], $0x4000, $0x38;
	[tilespmem:$0x10200] =	vst v63  }
0x4b: {  	_ =	swait.ge [sflag:s3], $0x4000  }
0x4c: {  	[sflag:s3] =	ssyncset.done $0x0  }
0x4d: {  	[sflag:s3] =	ssyncadd.s32 $0xFFFFC000  }
0x4e: {  	_ =	swait.ge [sflag:s13], $0x4000  }
.Ltmp1:
0x4f: {  	[sflag:s13] =	ssyncset.done $0x0;
	(pc) =	sbr.rel @p0 .LBB2_1-.Ltmp1, $4  }
0x50: {  	[sflag:s13] =	ssyncadd.s32 $0xFFFFC000  }
0x51: {  	[hbm4b:s17+s2] =	stream.linear.scatter [tilespmem:s12], [sflag:$0x2], $0x4000, $0x38;
	[tilespmem:$0x10200] =	vst v63  }
0x52: {  	_ =	swait.ge [sflag:s3], $0x4000  }
0x53: {  	[sflag:s3] =	ssyncset.done $0x0  }
.LBB2_2:
0x54: {  	[sflag:s3] =	ssyncadd.s32 $0xFFFFC000  }
0x55: {  	_ =	sfence.sel $0x180000  }
0x56: {  	[bflag:$0x0] =	sbarrier.arrive $0xFFFF  }
0x57: {  	p0 =	sne.s32 s1, $0x0;
	_ =	strace $0x90000047  }
0x58: {  	s0 =	sadd.s32 @!p0 $0x100000, s0;
	[bflag:$0x2] =	sbarrier.arrive $0xFFFF  }
0x59: {  	[sflag:s0] =	ssyncadd.tile.s32 @!p0 $0x1;
	_ =	shalt  }
.Lfunc_end2:
_tile_overlayer_lowered:
.L_overlay_start_2:
0x5a: {  	(tag) =	ssettag $0x2  }
0x5b: {  	s0 =	rddreg [dreg:$0x0];
	s2 =	stileid.u32  }
0x5c: {  	s1 =	rddreg [dreg:$0x1];
	p0 =	sne.s32 s2, $0x0  }
0x5d: {  	s3 =	rddreg [dreg:$0x2];
	[bflag:$0x3] =	sbarrier.arrive $0xFFFF;
	s2 =	simm.s32 @!p0 $0x1C02  }
0x5e: {  	[timem:s3], [sflag:s2] =	dma.local @!p0 [hbm:s0], s1  }
0x5f: {  	s0 =	simm.s32 @!p0 $0x2  }
0x60: {  	_ =	swait.ge @!p0 [sflag:s0], s1  }
0x61: {  	s1 =	ssub.s32 @!p0 $0x0, s1;
	[sflag:s0] =	ssyncset.done @!p0 $0x0  }
0x62: {  	[sflag:s0] =	ssyncadd.s32 @!p0 s1  }
0x63: {  	[bflag:$0x3] =	sbarrier.arrive $0xFFFF  }
0x64: {  	_ =	shalt  }

</sc_bundles>
